<compile_context>
chip_gen: v7x
topology: tpu7x:2x2x1
jax: 0.10.2.dev20260603
libtpu: 0.0.44.dev20260713+nightly
codegen_flags: <defaults>
</compile_context>

<pallas_src>
import dataclasses
import functools

import jax
import jax.numpy as jnp
from jax import lax
from jax.experimental import pallas as pl
from jax.experimental.pallas import tpu as pltpu
from jax.experimental.pallas import tpu_sc as plsc

N = 100000
D = 256
N_SC = 8000
W = 80
NW = 32
L = 16

P = N_SC // 2
NCHUNK = P // W
KMAX = -(-NCHUNK // NW)

B = 4000
GRID = N // B
SC_BLOCKS = N_SC // B


def _sc_gather(table, xflat):
    mesh = plsc.VectorSubcoreMesh(core_axis_name="c", subcore_axis_name="s")
    cp = pltpu.CompilerParams()
    if "needs_layout_passes" in pltpu.CompilerParams.__dataclass_fields__:
        cp = dataclasses.replace(cp, needs_layout_passes=False)

    @functools.partial(
        pl.kernel,
        mesh=mesh,
        compiler_params=cp,
        out_type=jax.ShapeDtypeStruct((P, 2 * D), jnp.float32),
        scratch_types=[
            pltpu.VMEM((4 * W,), jnp.int32),
            pltpu.VMEM((W,), jnp.int32),
            pltpu.VMEM((W, 2 * D), jnp.float32),
            pltpu.VMEM((W, 2 * D), jnp.float32),
            pltpu.SemaphoreType.DMA,
            pltpu.SemaphoreType.DMA,
            pltpu.SemaphoreType.DMA,
        ],
    )
    def k(table_hbm, xflat_hbm, out_hbm, xv, idxv, rows0, rows1,
          gsem, wsem0, wsem1):
        wid = lax.axis_index("s") * 2 + lax.axis_index("c")
        rows = (rows0, rows1)
        wsem = (wsem0, wsem1)
        iota = lax.iota(jnp.int32, L)

        def fetch_gather_write(chunk, b):
            pltpu.sync_copy(xflat_hbm.at[pl.ds(chunk * 4 * W, 4 * W)], xv)
            for g in range(W // L):
                v = plsc.load_gather(xv, [iota * 4 + (4 * L * g)])
                for i in range(1, 4):
                    a = plsc.load_gather(xv, [iota * 4 + (4 * L * g + i)])
                    v = v * 3 + a
                idxv[pl.ds(g * L, L)] = v
            pltpu.async_copy(table_hbm.at[idxv], rows[b], gsem).wait()
            pltpu.async_copy(rows[b], out_hbm.at[pl.ds(chunk * W, W)],
                             wsem[b])

        def wait_write(b):
            pltpu.make_async_copy(
                rows[b], out_hbm.at[pl.ds(0, W)], wsem[b]).wait()

        fetch_gather_write(wid, 0)

        @pl.when(wid + NW < NCHUNK)
        def _():
            fetch_gather_write(wid + NW, 1)

        wait_write(0)

        @pl.when(wid + NW < NCHUNK)
        def _():
            wait_write(1)

    return k(table, xflat)


def _tc_combine(xt, thi, out_sc):
    def body(x_ref, thi_ref, sc_ref, o_ref):
        pid = pl.program_id(0)

        @pl.when(pid < SC_BLOCKS)
        def _():
            o_ref[...] = sc_ref[...]

        @pl.when(pid >= SC_BLOCKS)
        def _():
            i0 = x_ref[0, 0:1, :]
            i1 = x_ref[0, 1:2, :]
            row = lax.broadcasted_iota(jnp.int32, (8, B), 0)
            oht = ((row == i0) | (row == (i1 + 3))).astype(jnp.bfloat16)
            o_ref[...] = lax.dot_general(
                oht, thi_ref[...],
                dimension_numbers=(((0,), (0,)), ((), ())),
                preferred_element_type=jnp.float32)

    return pl.pallas_call(
        body,
        grid=(GRID,),
        in_specs=[
            pl.BlockSpec((1, 2, B), lambda i: (i, 0, 0)),
            pl.BlockSpec((8, D), lambda i: (0, 0)),
            pl.BlockSpec((B, D),
                         lambda i: (jnp.minimum(i, SC_BLOCKS - 1), 0)),
        ],
        out_specs=pl.BlockSpec((B, D), lambda i: (i, 0)),
        out_shape=jax.ShapeDtypeStruct((N, D), jnp.float32),
    )(xt, thi, out_sc)


def kernel(x, node_type_table, num_inv_pred_table):
    def cross(a, b):
        n, m = a.shape[0], b.shape[0]
        left = jnp.broadcast_to(a[:, None, :], (n, m, a.shape[1]))
        right = jnp.broadcast_to(b[None, :, :], (n, m, b.shape[1]))
        return jnp.concatenate([left, right], axis=2).reshape(
            n * m, a.shape[1] + b.shape[1])

    xi = x.astype(jnp.int32)

    c9 = cross(node_type_table, num_inv_pred_table)
    c81 = cross(c9, c9)
    xflat_sc = xi[:N_SC].reshape(-1)
    out_sc = _sc_gather(c81, xflat_sc)

    t = jnp.zeros((8, D), jnp.float32)
    t = t.at[0:3, :128].set(node_type_table)
    t = t.at[3:6, 128:].set(num_inv_pred_table)
    thi = t.astype(jnp.bfloat16)

    xt = xi.reshape(GRID, B, 2).transpose(0, 2, 1)
    return _tc_combine(xt, thi, out_sc.reshape(N_SC, D))

# --- scband reference (transcript-rebuilt; emitter-appended) ---
"""Pipeline reference for scband-dagnode-encoder-18743237280083 (READ-ONLY COPY).

The authoritative reference and input builder live on the scoring server;
editing this copy changes nothing except your own understanding.
"""

import jax, jax.numpy as jnp
import numpy as np

EMB_DIM = 128
VOCAB = 3
N = 100000

def setup_inputs(seed: int = 0) -> dict:
    key = jax.random.key(seed)
    k1, k2, k3 = jax.random.split(key, 3)
    x = jax.random.randint(k1, (N, 2), 0, VOCAB, dtype=jnp.int64) if jax.config.jax_enable_x64 else jax.random.randint(k1, (N, 2), 0, VOCAB, dtype=jnp.int32)
    # Xavier uniform init for embedding tables of shape [VOCAB, EMB_DIM]
    limit = np.sqrt(6.0 / (VOCAB + EMB_DIM))
    node_type_table = jax.random.uniform(k2, (VOCAB, EMB_DIM), minval=-limit, maxval=limit, dtype=jnp.float32)
    num_inv_pred_table = jax.random.uniform(k3, (VOCAB, EMB_DIM), minval=-limit, maxval=limit, dtype=jnp.float32)
    return {"x": x, "node_type_table": node_type_table, "num_inv_pred_table": num_inv_pred_table}

def reference(x, node_type_table, num_inv_pred_table):
    first_embedding = jnp.take(node_type_table, x[:, 0], axis=0)
    second_embedding = jnp.take(num_inv_pred_table, x[:, 1], axis=0)
    x_embedding = jnp.concatenate((first_embedding, second_embedding), axis=1)
    return x_embedding

if __name__ == "__main__":
    import jax
    _d = setup_inputs()
    print(jax.jit(kernel)(*tuple(_d.values())))

</pallas_src>

<mosaic_0001>
#map = affine_map<(d0, d1) -> (0, 0)>
#map1 = affine_map<(d0, d1) -> (0)>
module attributes {stable_mosaic.version = 14 : i64} {
  func.func @k(%arg0: i32, %arg1: i32, %arg2: memref<81x512xf32, #tpu.memory_space<hbm>>, %arg3: memref<16000xi32, #tpu.memory_space<hbm>>, %arg4: memref<4000x512xf32, #tpu.memory_space<hbm>>, %arg5: memref<320xi32, #tpu.memory_space<vmem>>, %arg6: memref<80xi32, #tpu.memory_space<vmem>>, %arg7: memref<80x512xf32, #tpu.memory_space<vmem>>, %arg8: memref<80x512xf32, #tpu.memory_space<vmem>>, %arg9: memref<!tpu.dma_semaphore, #tpu.memory_space<semaphore_mem>>, %arg10: memref<!tpu.dma_semaphore, #tpu.memory_space<semaphore_mem>>, %arg11: memref<!tpu.dma_semaphore, #tpu.memory_space<semaphore_mem>>) attributes {dimension_semantics = [#tpu.dimension_semantics<core_parallel>, #tpu.dimension_semantics<subcore_parallel>], iteration_bounds = array<i64: 2, 16>, scalar_prefetch = 0 : i64, scratch_operands = 7 : i64, tpu.core_type = #tpu.core_type<sc_vector_subcore>, window_params = [{transform_indices = #map}, {transform_indices = #map1}, {transform_indices = #map}]} {
    %mul3A = arith.constant 2 : i32
    %mul3A_0 = arith.muli %arg1, %mul3A : i32
    %add3A = arith.addi %mul3A_0, %arg0 : i32
    %iota3A = tpu.iota {dimensions = array<i32: 0>} : vector<16xi32>
    %mul3A_1 = arith.constant 4 : i32
    %mul3A_2 = arith.muli %add3A, %mul3A_1 : i32
    %mul3A_3 = arith.constant 80 : i32
    %mul3A_4 = arith.muli %mul3A_2, %mul3A_3 : i32
    "tpu.region"() ({
      %run_scoped3A = tpu.sem_alloc : memref<!tpu.dma_semaphore, #tpu.memory_space<semaphore_mem>>
      %dma_start3A_240 = tpu.memref_slice %arg3[%mul3A_4] : memref<16000xi32, #tpu.memory_space<hbm>> -> memref<320xi32, #tpu.memory_space<hbm>>
      %dma_start3A_241 = tpu.memref_slice %arg3[%mul3A_4] : memref<16000xi32, #tpu.memory_space<hbm>> -> memref<320xi32, #tpu.memory_space<hbm>>
      tpu.enqueue_dma source(%dma_start3A_241 : memref<320xi32, #tpu.memory_space<hbm>>) target(%arg5 : memref<320xi32, #tpu.memory_space<vmem>>) target_semaphore(%run_scoped3A : memref<!tpu.dma_semaphore, #tpu.memory_space<semaphore_mem>>)
      %dma_wait3A_242 = tpu.memref_slice %arg3[%mul3A_4] : memref<16000xi32, #tpu.memory_space<hbm>> -> memref<320xi32, #tpu.memory_space<hbm>>
      %dma_wait3A_243 = tpu.memref_slice %arg3[%mul3A_4] : memref<16000xi32, #tpu.memory_space<hbm>> -> memref<320xi32, #tpu.memory_space<hbm>>
      tpu.wait_dma2 semaphore(%run_scoped3A : memref<!tpu.dma_semaphore, #tpu.memory_space<semaphore_mem>>) src(%dma_wait3A_243 : memref<320xi32, #tpu.memory_space<hbm>>) dst(%arg5 : memref<320xi32, #tpu.memory_space<vmem>>)
      tpu.yield
    }) : () -> ()
    %mul3A_5 = arith.constant 4 : i32
    %mul3A_6 = vector.broadcast %mul3A_5 : i32 to vector<16xi32>
    %mul3A_7 = arith.muli %iota3A, %mul3A_6 : vector<16xi32>
    %add3A_8 = arith.constant 0 : i32
    %add3A_9 = vector.broadcast %add3A_8 : i32 to vector<16xi32>
    %add3A_10 = arith.addi %mul3A_7, %add3A_9 : vector<16xi32>
    %gather3A = tpu.vector_load_idx %arg5[%add3A_10] : memref<320xi32, #tpu.memory_space<vmem>>[vector<16xi32>], vector<16xi32>,
    %mul3A_11 = arith.constant 4 : i32
    %mul3A_12 = vector.broadcast %mul3A_11 : i32 to vector<16xi32>
    %mul3A_13 = arith.muli %iota3A, %mul3A_12 : vector<16xi32>
    %add3A_14 = arith.constant 1 : i32
    %add3A_15 = vector.broadcast %add3A_14 : i32 to vector<16xi32>
    %add3A_16 = arith.addi %mul3A_13, %add3A_15 : vector<16xi32>
    %gather3A_17 = tpu.vector_load_idx %arg5[%add3A_16] : memref<320xi32, #tpu.memory_space<vmem>>[vector<16xi32>], vector<16xi32>,
    %mul3A_18 = arith.constant 3 : i32
    %mul3A_19 = vector.broadcast %mul3A_18 : i32 to vector<16xi32>
    %mul3A_20 = arith.muli %gather3A, %mul3A_19 : vector<16xi32>
    %add3A_21 = arith.addi %mul3A_20, %gather3A_17 : vector<16xi32>
    %mul3A_22 = arith.constant 4 : i32
    %mul3A_23 = vector.broadcast %mul3A_22 : i32 to vector<16xi32>
    %mul3A_24 = arith.muli %iota3A, %mul3A_23 : vector<16xi32>
    %add3A_25 = arith.constant 2 : i32
    %add3A_26 = vector.broadcast %add3A_25 : i32 to vector<16xi32>
    %add3A_27 = arith.addi %mul3A_24, %add3A_26 : vector<16xi32>
    %gather3A_28 = tpu.vector_load_idx %arg5[%add3A_27] : memref<320xi32, #tpu.memory_space<vmem>>[vector<16xi32>], vector<16xi32>,
    %mul3A_29 = arith.constant 3 : i32
    %mul3A_30 = vector.broadcast %mul3A_29 : i32 to vector<16xi32>
    %mul3A_31 = arith.muli %add3A_21, %mul3A_30 : vector<16xi32>
    %add3A_32 = arith.addi %mul3A_31, %gather3A_28 : vector<16xi32>
    %mul3A_33 = arith.constant 4 : i32
    %mul3A_34 = vector.broadcast %mul3A_33 : i32 to vector<16xi32>
    %mul3A_35 = arith.muli %iota3A, %mul3A_34 : vector<16xi32>
    %add3A_36 = arith.constant 3 : i32
    %add3A_37 = vector.broadcast %add3A_36 : i32 to vector<16xi32>
    %add3A_38 = arith.addi %mul3A_35, %add3A_37 : vector<16xi32>
    %gather3A_39 = tpu.vector_load_idx %arg5[%add3A_38] : memref<320xi32, #tpu.memory_space<vmem>>[vector<16xi32>], vector<16xi32>,
    %mul3A_40 = arith.constant 3 : i32
    %mul3A_41 = vector.broadcast %mul3A_40 : i32 to vector<16xi32>
    %mul3A_42 = arith.muli %add3A_32, %mul3A_41 : vector<16xi32>
    %add3A_43 = arith.addi %mul3A_42, %gather3A_39 : vector<16xi32>
    %swap3A = arith.constant 0 : index
    %swap3A_44 = tpu.vector_load %arg6[%swap3A] {strides = array<i32>} : memref<80xi32, #tpu.memory_space<vmem>>, vector<16xi32>,
    tpu.vector_store %arg6[%swap3A], %add3A_43 {strides = array<i32>} : memref<80xi32, #tpu.memory_space<vmem>>, vector<16xi32>,
    %mul3A_45 = arith.constant 4 : i32
    %mul3A_46 = vector.broadcast %mul3A_45 : i32 to vector<16xi32>
    %mul3A_47 = arith.muli %iota3A, %mul3A_46 : vector<16xi32>
    %add3A_48 = arith.constant 64 : i32
    %add3A_49 = vector.broadcast %add3A_48 : i32 to vector<16xi32>
    %add3A_50 = arith.addi %mul3A_47, %add3A_49 : vector<16xi32>
    %gather3A_51 = tpu.vector_load_idx %arg5[%add3A_50] : memref<320xi32, #tpu.memory_space<vmem>>[vector<16xi32>], vector<16xi32>,
    %mul3A_52 = arith.constant 4 : i32
    %mul3A_53 = vector.broadcast %mul3A_52 : i32 to vector<16xi32>
    %mul3A_54 = arith.muli %iota3A, %mul3A_53 : vector<16xi32>
    %add3A_55 = arith.constant 65 : i32
    %add3A_56 = vector.broadcast %add3A_55 : i32 to vector<16xi32>
    %add3A_57 = arith.addi %mul3A_54, %add3A_56 : vector<16xi32>
    %gather3A_58 = tpu.vector_load_idx %arg5[%add3A_57] : memref<320xi32, #tpu.memory_space<vmem>>[vector<16xi32>], vector<16xi32>,
    %mul3A_59 = arith.constant 3 : i32
    %mul3A_60 = vector.broadcast %mul3A_59 : i32 to vector<16xi32>
    %mul3A_61 = arith.muli %gather3A_51, %mul3A_60 : vector<16xi32>
    %add3A_62 = arith.addi %mul3A_61, %gather3A_58 : vector<16xi32>
    %mul3A_63 = arith.constant 4 : i32
    %mul3A_64 = vector.broadcast %mul3A_63 : i32 to vector<16xi32>
    %mul3A_65 = arith.muli %iota3A, %mul3A_64 : vector<16xi32>
    %add3A_66 = arith.constant 66 : i32
    %add3A_67 = vector.broadcast %add3A_66 : i32 to vector<16xi32>
    %add3A_68 = arith.addi %mul3A_65, %add3A_67 : vector<16xi32>
    %gather3A_69 = tpu.vector_load_idx %arg5[%add3A_68] : memref<320xi32, #tpu.memory_space<vmem>>[vector<16xi32>], vector<16xi32>,
    %mul3A_70 = arith.constant 3 : i32
    %mul3A_71 = vector.broadcast %mul3A_70 : i32 to vector<16xi32>
    %mul3A_72 = arith.muli %add3A_62, %mul3A_71 : vector<16xi32>
    %add3A_73 = arith.addi %mul3A_72, %gather3A_69 : vector<16xi32>
    %mul3A_74 = arith.constant 4 : i32
    %mul3A_75 = vector.broadcast %mul3A_74 : i32 to vector<16xi32>
    %mul3A_76 = arith.muli %iota3A, %mul3A_75 : vector<16xi32>
    %add3A_77 = arith.constant 67 : i32
    %add3A_78 = vector.broadcast %add3A_77 : i32 to vector<16xi32>
    %add3A_79 = arith.addi %mul3A_76, %add3A_78 : vector<16xi32>
    %gather3A_80 = tpu.vector_load_idx %arg5[%add3A_79] : memref<320xi32, #tpu.memory_space<vmem>>[vector<16xi32>], vector<16xi32>,
    %mul3A_81 = arith.constant 3 : i32
    %mul3A_82 = vector.broadcast %mul3A_81 : i32 to vector<16xi32>
    %mul3A_83 = arith.muli %add3A_73, %mul3A_82 : vector<16xi32>
    %add3A_84 = arith.addi %mul3A_83, %gather3A_80 : vector<16xi32>
    %swap3A_85 = arith.constant 16 : index
    %swap3A_86 = tpu.vector_load %arg6[%swap3A_85] {strides = array<i32>} : memref<80xi32, #tpu.memory_space<vmem>>, vector<16xi32>,
    tpu.vector_store %arg6[%swap3A_85], %add3A_84 {strides = array<i32>} : memref<80xi32, #tpu.memory_space<vmem>>, vector<16xi32>,
    %mul3A_87 = arith.constant 4 : i32
    %mul3A_88 = vector.broadcast %mul3A_87 : i32 to vector<16xi32>
    %mul3A_89 = arith.muli %iota3A, %mul3A_88 : vector<16xi32>
    %add3A_90 = arith.constant 128 : i32
    %add3A_91 = vector.broadcast %add3A_90 : i32 to vector<16xi32>
    %add3A_92 = arith.addi %mul3A_89, %add3A_91 : vector<16xi32>
    %gather3A_93 = tpu.vector_load_idx %arg5[%add3A_92] : memref<320xi32, #tpu.memory_space<vmem>>[vector<16xi32>], vector<16xi32>,
    %mul3A_94 = arith.constant 4 : i32
    %mul3A_95 = vector.broadcast %mul3A_94 : i32 to vector<16xi32>
    %mul3A_96 = arith.muli %iota3A, %mul3A_95 : vector<16xi32>
    %add3A_97 = arith.constant 129 : i32
    %add3A_98 = vector.broadcast %add3A_97 : i32 to vector<16xi32>
    %add3A_99 = arith.addi %mul3A_96, %add3A_98 : vector<16xi32>
    %gather3A_100 = tpu.vector_load_idx %arg5[%add3A_99] : memref<320xi32, #tpu.memory_space<vmem>>[vector<16xi32>], vector<16xi32>,
    %mul3A_101 = arith.constant 3 : i32
    %mul3A_102 = vector.broadcast %mul3A_101 : i32 to vector<16xi32>
    %mul3A_103 = arith.muli %gather3A_93, %mul3A_102 : vector<16xi32>
    %add3A_104 = arith.addi %mul3A_103, %gather3A_100 : vector<16xi32>
    %mul3A_105 = arith.constant 4 : i32
    %mul3A_106 = vector.broadcast %mul3A_105 : i32 to vector<16xi32>
    %mul3A_107 = arith.muli %iota3A, %mul3A_106 : vector<16xi32>
    %add3A_108 = arith.constant 130 : i32
    %add3A_109 = vector.broadcast %add3A_108 : i32 to vector<16xi32>
    %add3A_110 = arith.addi %mul3A_107, %add3A_109 : vector<16xi32>
    %gather3A_111 = tpu.vector_load_idx %arg5[%add3A_110] : memref<320xi32, #tpu.memory_space<vmem>>[vector<16xi32>], vector<16xi32>,
    %mul3A_112 = arith.constant 3 : i32
    %mul3A_113 = vector.broadcast %mul3A_112 : i32 to vector<16xi32>
    %mul3A_114 = arith.muli %add3A_104, %mul3A_113 : vector<16xi32>
    %add3A_115 = arith.addi %mul3A_114, %gather3A_111 : vector<16xi32>
    %mul3A_116 = arith.constant 4 : i32
    %mul3A_117 = vector.broadcast %mul3A_116 : i32 to vector<16xi32>
    %mul3A_118 = arith.muli %iota3A, %mul3A_117 : vector<16xi32>
    %add3A_119 = arith.constant 131 : i32
    %add3A_120 = vector.broadcast %add3A_119 : i32 to vector<16xi32>
    %add3A_121 = arith.addi %mul3A_118, %add3A_120 : vector<16xi32>
    %gather3A_122 = tpu.vector_load_idx %arg5[%add3A_121] : memref<320xi32, #tpu.memory_space<vmem>>[vector<16xi32>], vector<16xi32>,
    %mul3A_123 = arith.constant 3 : i32
    %mul3A_124 = vector.broadcast %mul3A_123 : i32 to vector<16xi32>
    %mul3A_125 = arith.muli %add3A_115, %mul3A_124 : vector<16xi32>
    %add3A_126 = arith.addi %mul3A_125, %gather3A_122 : vector<16xi32>
    %swap3A_127 = arith.constant 32 : index
    %swap3A_128 = tpu.vector_load %arg6[%swap3A_127] {strides = array<i32>} : memref<80xi32, #tpu.memory_space<vmem>>, vector<16xi32>,
    tpu.vector_store %arg6[%swap3A_127], %add3A_126 {strides = array<i32>} : memref<80xi32, #tpu.memory_space<vmem>>, vector<16xi32>,
    %mul3A_129 = arith.constant 4 : i32
    %mul3A_130 = vector.broadcast %mul3A_129 : i32 to vector<16xi32>
    %mul3A_131 = arith.muli %iota3A, %mul3A_130 : vector<16xi32>
    %add3A_132 = arith.constant 192 : i32
    %add3A_133 = vector.broadcast %add3A_132 : i32 to vector<16xi32>
    %add3A_134 = arith.addi %mul3A_131, %add3A_133 : vector<16xi32>
    %gather3A_135 = tpu.vector_load_idx %arg5[%add3A_134] : memref<320xi32, #tpu.memory_space<vmem>>[vector<16xi32>], vector<16xi32>,
    %mul3A_136 = arith.constant 4 : i32
    %mul3A_137 = vector.broadcast %mul3A_136 : i32 to vector<16xi32>
    %mul3A_138 = arith.muli %iota3A, %mul3A_137 : vector<16xi32>
    %add3A_139 = arith.constant 193 : i32
    %add3A_140 = vector.broadcast %add3A_139 : i32 to vector<16xi32>
    %add3A_141 = arith.addi %mul3A_138, %add3A_140 : vector<16xi32>
    %gather3A_142 = tpu.vector_load_idx %arg5[%add3A_141] : memref<320xi32, #tpu.memory_space<vmem>>[vector<16xi32>], vector<16xi32>,
    %mul3A_143 = arith.constant 3 : i32
    %mul3A_144 = vector.broadcast %mul3A_143 : i32 to vector<16xi32>
    %mul3A_145 = arith.muli %gather3A_135, %mul3A_144 : vector<16xi32>
    %add3A_146 = arith.addi %mul3A_145, %gather3A_142 : vector<16xi32>
    %mul3A_147 = arith.constant 4 : i32
    %mul3A_148 = vector.broadcast %mul3A_147 : i32 to vector<16xi32>
    %mul3A_149 = arith.muli %iota3A, %mul3A_148 : vector<16xi32>
    %add3A_150 = arith.constant 194 : i32
    %add3A_151 = vector.broadcast %add3A_150 : i32 to vector<16xi32>
    %add3A_152 = arith.addi %mul3A_149, %add3A_151 : vector<16xi32>
    %gather3A_153 = tpu.vector_load_idx %arg5[%add3A_152] : memref<320xi32, #tpu.memory_space<vmem>>[vector<16xi32>], vector<16xi32>,
    %mul3A_154 = arith.constant 3 : i32
    %mul3A_155 = vector.broadcast %mul3A_154 : i32 to vector<16xi32>
    %mul3A_156 = arith.muli %add3A_146, %mul3A_155 : vector<16xi32>
    %add3A_157 = arith.addi %mul3A_156, %gather3A_153 : vector<16xi32>
    %mul3A_158 = arith.constant 4 : i32
    %mul3A_159 = vector.broadcast %mul3A_158 : i32 to vector<16xi32>
    %mul3A_160 = arith.muli %iota3A, %mul3A_159 : vector<16xi32>
    %add3A_161 = arith.constant 195 : i32
    %add3A_162 = vector.broadcast %add3A_161 : i32 to vector<16xi32>
    %add3A_163 = arith.addi %mul3A_160, %add3A_162 : vector<16xi32>
    %gather3A_164 = tpu.vector_load_idx %arg5[%add3A_163] : memref<320xi32, #tpu.memory_space<vmem>>[vector<16xi32>], vector<16xi32>,
    %mul3A_165 = arith.constant 3 : i32
    %mul3A_166 = vector.broadcast %mul3A_165 : i32 to vector<16xi32>
    %mul3A_167 = arith.muli %add3A_157, %mul3A_166 : vector<16xi32>
    %add3A_168 = arith.addi %mul3A_167, %gather3A_164 : vector<16xi32>
    %swap3A_169 = arith.constant 48 : index
    %swap3A_170 = tpu.vector_load %arg6[%swap3A_169] {strides = array<i32>} : memref<80xi32, #tpu.memory_space<vmem>>, vector<16xi32>,
    tpu.vector_store %arg6[%swap3A_169], %add3A_168 {strides = array<i32>} : memref<80xi32, #tpu.memory_space<vmem>>, vector<16xi32>,
    %mul3A_171 = arith.constant 4 : i32
    %mul3A_172 = vector.broadcast %mul3A_171 : i32 to vector<16xi32>
    %mul3A_173 = arith.muli %iota3A, %mul3A_172 : vector<16xi32>
    %add3A_174 = arith.constant 256 : i32
    %add3A_175 = vector.broadcast %add3A_174 : i32 to vector<16xi32>
    %add3A_176 = arith.addi %mul3A_173, %add3A_175 : vector<16xi32>
    %gather3A_177 = tpu.vector_load_idx %arg5[%add3A_176] : memref<320xi32, #tpu.memory_space<vmem>>[vector<16xi32>], vector<16xi32>,
    %mul3A_178 = arith.constant 4 : i32
    %mul3A_179 = vector.broadcast %mul3A_178 : i32 to vector<16xi32>
    %mul3A_180 = arith.muli %iota3A, %mul3A_179 : vector<16xi32>
    %add3A_181 = arith.constant 257 : i32
    %add3A_182 = vector.broadcast %add3A_181 : i32 to vector<16xi32>
    %add3A_183 = arith.addi %mul3A_180, %add3A_182 : vector<16xi32>
    %gather3A_184 = tpu.vector_load_idx %arg5[%add3A_183] : memref<320xi32, #tpu.memory_space<vmem>>[vector<16xi32>], vector<16xi32>,
    %mul3A_185 = arith.constant 3 : i32
    %mul3A_186 = vector.broadcast %mul3A_185 : i32 to vector<16xi32>
    %mul3A_187 = arith.muli %gather3A_177, %mul3A_186 : vector<16xi32>
    %add3A_188 = arith.addi %mul3A_187, %gather3A_184 : vector<16xi32>
    %mul3A_189 = arith.constant 4 : i32
    %mul3A_190 = vector.broadcast %mul3A_189 : i32 to vector<16xi32>
    %mul3A_191 = arith.muli %iota3A, %mul3A_190 : vector<16xi32>
    %add3A_192 = arith.constant 258 : i32
    %add3A_193 = vector.broadcast %add3A_192 : i32 to vector<16xi32>
    %add3A_194 = arith.addi %mul3A_191, %add3A_193 : vector<16xi32>
    %gather3A_195 = tpu.vector_load_idx %arg5[%add3A_194] : memref<320xi32, #tpu.memory_space<vmem>>[vector<16xi32>], vector<16xi32>,
    %mul3A_196 = arith.constant 3 : i32
    %mul3A_197 = vector.broadcast %mul3A_196 : i32 to vector<16xi32>
    %mul3A_198 = arith.muli %add3A_188, %mul3A_197 : vector<16xi32>
    %add3A_199 = arith.addi %mul3A_198, %gather3A_195 : vector<16xi32>
    %mul3A_200 = arith.constant 4 : i32
    %mul3A_201 = vector.broadcast %mul3A_200 : i32 to vector<16xi32>
    %mul3A_202 = arith.muli %iota3A, %mul3A_201 : vector<16xi32>
    %add3A_203 = arith.constant 259 : i32
    %add3A_204 = vector.broadcast %add3A_203 : i32 to vector<16xi32>
    %add3A_205 = arith.addi %mul3A_202, %add3A_204 : vector<16xi32>
    %gather3A_206 = tpu.vector_load_idx %arg5[%add3A_205] : memref<320xi32, #tpu.memory_space<vmem>>[vector<16xi32>], vector<16xi32>,
    %mul3A_207 = arith.constant 3 : i32
    %mul3A_208 = vector.broadcast %mul3A_207 : i32 to vector<16xi32>
    %mul3A_209 = arith.muli %add3A_199, %mul3A_208 : vector<16xi32>
    %add3A_210 = arith.addi %mul3A_209, %gather3A_206 : vector<16xi32>
    %swap3A_211 = arith.constant 64 : index
    %swap3A_212 = tpu.vector_load %arg6[%swap3A_211] {strides = array<i32>} : memref<80xi32, #tpu.memory_space<vmem>>, vector<16xi32>,
    tpu.vector_store %arg6[%swap3A_211], %add3A_210 {strides = array<i32>} : memref<80xi32, #tpu.memory_space<vmem>>, vector<16xi32>,
    %dma_start3A = arith.constant 0 : i32
    %dma_start3A_213 = arith.constant 0 : i32
    %dma_start3A_214 = tpu.memref_slice %arg2[%dma_start3A, %dma_start3A_213] : memref<81x512xf32, #tpu.memory_space<hbm>> -> memref<81x512xf32, #tpu.memory_space<hbm>>
    tpu.enqueue_indirect_dma source(%dma_start3A_214 : memref<81x512xf32, #tpu.memory_space<hbm>>) target(%arg7 : memref<80x512xf32, #tpu.memory_space<vmem>>) offsets(%arg6 : memref<80xi32, #tpu.memory_space<vmem>>) semaphore(%arg9 : memref<!tpu.dma_semaphore, #tpu.memory_space<semaphore_mem>>)
    %dma_wait3A = arith.constant 0 : i32
    %dma_wait3A_215 = arith.constant 0 : i32
    %dma_wait3A_216 = tpu.memref_slice %arg2[%dma_wait3A, %dma_wait3A_215] : memref<81x512xf32, #tpu.memory_space<hbm>> -> memref<81x512xf32, #tpu.memory_space<hbm>>
    tpu.wait_indirect_dma semaphore(%arg9 : memref<!tpu.dma_semaphore, #tpu.memory_space<semaphore_mem>>) src(%dma_wait3A_216 : memref<81x512xf32, #tpu.memory_space<hbm>>) dst(%arg7 : memref<80x512xf32, #tpu.memory_space<vmem>>)
    %mul3A_217 = arith.constant 80 : i32
    %mul3A_218 = arith.muli %add3A, %mul3A_217 : i32
    %dma_start3A_219 = arith.constant 0 : i32
    %dma_start3A_220 = tpu.memref_slice %arg4[%mul3A_218, %dma_start3A_219] : memref<4000x512xf32, #tpu.memory_space<hbm>> -> memref<80x512xf32, #tpu.memory_space<hbm>>
    %dma_start3A_221 = arith.constant 0 : i32
    %dma_start3A_222 = tpu.memref_slice %arg4[%mul3A_218, %dma_start3A_221] : memref<4000x512xf32, #tpu.memory_space<hbm>> -> memref<80x512xf32, #tpu.memory_space<hbm>>
    tpu.enqueue_dma source(%arg7 : memref<80x512xf32, #tpu.memory_space<vmem>>) target(%dma_start3A_222 : memref<80x512xf32, #tpu.memory_space<hbm>>) target_semaphore(%arg10 : memref<!tpu.dma_semaphore, #tpu.memory_space<semaphore_mem>>)
    %add3A_223 = arith.constant 32 : i32
    %add3A_224 = arith.addi %add3A, %add3A_223 : i32
    %lt3A = arith.constant 50 : i32
    %lt3A_225 = arith.cmpi slt, %add3A_224, %lt3A : i32
    %convert_element_type3A = arith.extui %lt3A_225 : i1 to i32
    %cond3A = arith.constant 0 : i32
    %cond3A_226 = arith.cmpi ne, %convert_element_type3A, %cond3A : i32
    scf.if %cond3A_226 {
      %add3A_240 = arith.constant 32 : i32
      %add3A_241 = arith.addi %add3A, %add3A_240 : i32
      %mul3A_242 = arith.constant 4 : i32
      %mul3A_243 = arith.muli %add3A_241, %mul3A_242 : i32
      %mul3A_244 = arith.constant 80 : i32
      %mul3A_245 = arith.muli %mul3A_243, %mul3A_244 : i32
      "tpu.region"() ({
        %run_scoped3A = tpu.sem_alloc : memref<!tpu.dma_semaphore, #tpu.memory_space<semaphore_mem>>
        %dma_start3A_468 = tpu.memref_slice %arg3[%mul3A_245] : memref<16000xi32, #tpu.memory_space<hbm>> -> memref<320xi32, #tpu.memory_space<hbm>>
        %dma_start3A_469 = tpu.memref_slice %arg3[%mul3A_245] : memref<16000xi32, #tpu.memory_space<hbm>> -> memref<320xi32, #tpu.memory_space<hbm>>
        tpu.enqueue_dma source(%dma_start3A_469 : memref<320xi32, #tpu.memory_space<hbm>>) target(%arg5 : memref<320xi32, #tpu.memory_space<vmem>>) target_semaphore(%run_scoped3A : memref<!tpu.dma_semaphore, #tpu.memory_space<semaphore_mem>>)
        %dma_wait3A_470 = tpu.memref_slice %arg3[%mul3A_245] : memref<16000xi32, #tpu.memory_space<hbm>> -> memref<320xi32, #tpu.memory_space<hbm>>
        %dma_wait3A_471 = tpu.memref_slice %arg3[%mul3A_245] : memref<16000xi32, #tpu.memory_space<hbm>> -> memref<320xi32, #tpu.memory_space<hbm>>
        tpu.wait_dma2 semaphore(%run_scoped3A : memref<!tpu.dma_semaphore, #tpu.memory_space<semaphore_mem>>) src(%dma_wait3A_471 : memref<320xi32, #tpu.memory_space<hbm>>) dst(%arg5 : memref<320xi32, #tpu.memory_space<vmem>>)
        tpu.yield
      }) : () -> ()
      %mul3A_246 = arith.constant 4 : i32
      %mul3A_247 = vector.broadcast %mul3A_246 : i32 to vector<16xi32>
      %mul3A_248 = arith.muli %iota3A, %mul3A_247 : vector<16xi32>
      %add3A_249 = arith.constant 0 : i32
      %add3A_250 = vector.broadcast %add3A_249 : i32 to vector<16xi32>
      %add3A_251 = arith.addi %mul3A_248, %add3A_250 : vector<16xi32>
      %gather3A_252 = tpu.vector_load_idx %arg5[%add3A_251] : memref<320xi32, #tpu.memory_space<vmem>>[vector<16xi32>], vector<16xi32>,
      %mul3A_253 = arith.constant 4 : i32
      %mul3A_254 = vector.broadcast %mul3A_253 : i32 to vector<16xi32>
      %mul3A_255 = arith.muli %iota3A, %mul3A_254 : vector<16xi32>
      %add3A_256 = arith.constant 1 : i32
      %add3A_257 = vector.broadcast %add3A_256 : i32 to vector<16xi32>
      %add3A_258 = arith.addi %mul3A_255, %add3A_257 : vector<16xi32>
      %gather3A_259 = tpu.vector_load_idx %arg5[%add3A_258] : memref<320xi32, #tpu.memory_space<vmem>>[vector<16xi32>], vector<16xi32>,
      %mul3A_260 = arith.constant 3 : i32
      %mul3A_261 = vector.broadcast %mul3A_260 : i32 to vector<16xi32>
      %mul3A_262 = arith.muli %gather3A_252, %mul3A_261 : vector<16xi32>
      %add3A_263 = arith.addi %mul3A_262, %gather3A_259 : vector<16xi32>
      %mul3A_264 = arith.constant 4 : i32
      %mul3A_265 = vector.broadcast %mul3A_264 : i32 to vector<16xi32>
      %mul3A_266 = arith.muli %iota3A, %mul3A_265 : vector<16xi32>
      %add3A_267 = arith.constant 2 : i32
      %add3A_268 = vector.broadcast %add3A_267 : i32 to vector<16xi32>
      %add3A_269 = arith.addi %mul3A_266, %add3A_268 : vector<16xi32>
      %gather3A_270 = tpu.vector_load_idx %arg5[%add3A_269] : memref<320xi32, #tpu.memory_space<vmem>>[vector<16xi32>], vector<16xi32>,
      %mul3A_271 = arith.constant 3 : i32
      %mul3A_272 = vector.broadcast %mul3A_271 : i32 to vector<16xi32>
      %mul3A_273 = arith.muli %add3A_263, %mul3A_272 : vector<16xi32>
      %add3A_274 = arith.addi %mul3A_273, %gather3A_270 : vector<16xi32>
      %mul3A_275 = arith.constant 4 : i32
      %mul3A_276 = vector.broadcast %mul3A_275 : i32 to vector<16xi32>
      %mul3A_277 = arith.muli %iota3A, %mul3A_276 : vector<16xi32>
      %add3A_278 = arith.constant 3 : i32
      %add3A_279 = vector.broadcast %add3A_278 : i32 to vector<16xi32>
      %add3A_280 = arith.addi %mul3A_277, %add3A_279 : vector<16xi32>
      %gather3A_281 = tpu.vector_load_idx %arg5[%add3A_280] : memref<320xi32, #tpu.memory_space<vmem>>[vector<16xi32>], vector<16xi32>,
      %mul3A_282 = arith.constant 3 : i32
      %mul3A_283 = vector.broadcast %mul3A_282 : i32 to vector<16xi32>
      %mul3A_284 = arith.muli %add3A_274, %mul3A_283 : vector<16xi32>
      %add3A_285 = arith.addi %mul3A_284, %gather3A_281 : vector<16xi32>
      %swap3A_286 = arith.constant 0 : index
      %swap3A_287 = tpu.vector_load %arg6[%swap3A_286] {strides = array<i32>} : memref<80xi32, #tpu.memory_space<vmem>>, vector<16xi32>,
      tpu.vector_store %arg6[%swap3A_286], %add3A_285 {strides = array<i32>} : memref<80xi32, #tpu.memory_space<vmem>>, vector<16xi32>,
      %mul3A_288 = arith.constant 4 : i32
      %mul3A_289 = vector.broadcast %mul3A_288 : i32 to vector<16xi32>
      %mul3A_290 = arith.muli %iota3A, %mul3A_289 : vector<16xi32>
      %add3A_291 = arith.constant 64 : i32
      %add3A_292 = vector.broadcast %add3A_291 : i32 to vector<16xi32>
      %add3A_293 = arith.addi %mul3A_290, %add3A_292 : vector<16xi32>
      %gather3A_294 = tpu.vector_load_idx %arg5[%add3A_293] : memref<320xi32, #tpu.memory_space<vmem>>[vector<16xi32>], vector<16xi32>,
      %mul3A_295 = arith.constant 4 : i32
      %mul3A_296 = vector.broadcast %mul3A_295 : i32 to vector<16xi32>
      %mul3A_297 = arith.muli %iota3A, %mul3A_296 : vector<16xi32>
      %add3A_298 = arith.constant 65 : i32
      %add3A_299 = vector.broadcast %add3A_298 : i32 to vector<16xi32>
      %add3A_300 = arith.addi %mul3A_297, %add3A_299 : vector<16xi32>
      %gather3A_301 = tpu.vector_load_idx %arg5[%add3A_300] : memref<320xi32, #tpu.memory_space<vmem>>[vector<16xi32>], vector<16xi32>,
      %mul3A_302 = arith.constant 3 : i32
      %mul3A_303 = vector.broadcast %mul3A_302 : i32 to vector<16xi32>
      %mul3A_304 = arith.muli %gather3A_294, %mul3A_303 : vector<16xi32>
      %add3A_305 = arith.addi %mul3A_304, %gather3A_301 : vector<16xi32>
      %mul3A_306 = arith.constant 4 : i32
      %mul3A_307 = vector.broadcast %mul3A_306 : i32 to vector<16xi32>
      %mul3A_308 = arith.muli %iota3A, %mul3A_307 : vector<16xi32>
      %add3A_309 = arith.constant 66 : i32
      %add3A_310 = vector.broadcast %add3A_309 : i32 to vector<16xi32>
      %add3A_311 = arith.addi %mul3A_308, %add3A_310 : vector<16xi32>
      %gather3A_312 = tpu.vector_load_idx %arg5[%add3A_311] : memref<320xi32, #tpu.memory_space<vmem>>[vector<16xi32>], vector<16xi32>,
      %mul3A_313 = arith.constant 3 : i32
      %mul3A_314 = vector.broadcast %mul3A_313 : i32 to vector<16xi32>
      %mul3A_315 = arith.muli %add3A_305, %mul3A_314 : vector<16xi32>
      %add3A_316 = arith.addi %mul3A_315, %gather3A_312 : vector<16xi32>
      %mul3A_317 = arith.constant 4 : i32
      %mul3A_318 = vector.broadcast %mul3A_317 : i32 to vector<16xi32>
      %mul3A_319 = arith.muli %iota3A, %mul3A_318 : vector<16xi32>
      %add3A_320 = arith.constant 67 : i32
      %add3A_321 = vector.broadcast %add3A_320 : i32 to vector<16xi32>
      %add3A_322 = arith.addi %mul3A_319, %add3A_321 : vector<16xi32>
      %gather3A_323 = tpu.vector_load_idx %arg5[%add3A_322] : memref<320xi32, #tpu.memory_space<vmem>>[vector<16xi32>], vector<16xi32>,
      %mul3A_324 = arith.constant 3 : i32
      %mul3A_325 = vector.broadcast %mul3A_324 : i32 to vector<16xi32>
      %mul3A_326 = arith.muli %add3A_316, %mul3A_325 : vector<16xi32>
      %add3A_327 = arith.addi %mul3A_326, %gather3A_323 : vector<16xi32>
      %swap3A_328 = arith.constant 16 : index
      %swap3A_329 = tpu.vector_load %arg6[%swap3A_328] {strides = array<i32>} : memref<80xi32, #tpu.memory_space<vmem>>, vector<16xi32>,
      tpu.vector_store %arg6[%swap3A_328], %add3A_327 {strides = array<i32>} : memref<80xi32, #tpu.memory_space<vmem>>, vector<16xi32>,
      %mul3A_330 = arith.constant 4 : i32
      %mul3A_331 = vector.broadcast %mul3A_330 : i32 to vector<16xi32>
      %mul3A_332 = arith.muli %iota3A, %mul3A_331 : vector<16xi32>
      %add3A_333 = arith.constant 128 : i32
      %add3A_334 = vector.broadcast %add3A_333 : i32 to vector<16xi32>
      %add3A_335 = arith.addi %mul3A_332, %add3A_334 : vector<16xi32>
      %gather3A_336 = tpu.vector_load_idx %arg5[%add3A_335] : memref<320xi32, #tpu.memory_space<vmem>>[vector<16xi32>], vector<16xi32>,
      %mul3A_337 = arith.constant 4 : i32
      %mul3A_338 = vector.broadcast %mul3A_337 : i32 to vector<16xi32>
      %mul3A_339 = arith.muli %iota3A, %mul3A_338 : vector<16xi32>
      %add3A_340 = arith.constant 129 : i32
      %add3A_341 = vector.broadcast %add3A_340 : i32 to vector<16xi32>
      %add3A_342 = arith.addi %mul3A_339, %add3A_341 : vector<16xi32>
      %gather3A_343 = tpu.vector_load_idx %arg5[%add3A_342] : memref<320xi32, #tpu.memory_space<vmem>>[vector<16xi32>], vector<16xi32>,
      %mul3A_344 = arith.constant 3 : i32
      %mul3A_345 = vector.broadcast %mul3A_344 : i32 to vector<16xi32>
      %mul3A_346 = arith.muli %gather3A_336, %mul3A_345 : vector<16xi32>
      %add3A_347 = arith.addi %mul3A_346, %gather3A_343 : vector<16xi32>
      %mul3A_348 = arith.constant 4 : i32
      %mul3A_349 = vector.broadcast %mul3A_348 : i32 to vector<16xi32>
      %mul3A_350 = arith.muli %iota3A, %mul3A_349 : vector<16xi32>
      %add3A_351 = arith.constant 130 : i32
      %add3A_352 = vector.broadcast %add3A_351 : i32 to vector<16xi32>
      %add3A_353 = arith.addi %mul3A_350, %add3A_352 : vector<16xi32>
      %gather3A_354 = tpu.vector_load_idx %arg5[%add3A_353] : memref<320xi32, #tpu.memory_space<vmem>>[vector<16xi32>], vector<16xi32>,
      %mul3A_355 = arith.constant 3 : i32
      %mul3A_356 = vector.broadcast %mul3A_355 : i32 to vector<16xi32>
      %mul3A_357 = arith.muli %add3A_347, %mul3A_356 : vector<16xi32>
      %add3A_358 = arith.addi %mul3A_357, %gather3A_354 : vector<16xi32>
      %mul3A_359 = arith.constant 4 : i32
      %mul3A_360 = vector.broadcast %mul3A_359 : i32 to vector<16xi32>
      %mul3A_361 = arith.muli %iota3A, %mul3A_360 : vector<16xi32>
      %add3A_362 = arith.constant 131 : i32
      %add3A_363 = vector.broadcast %add3A_362 : i32 to vector<16xi32>
      %add3A_364 = arith.addi %mul3A_361, %add3A_363 : vector<16xi32>
      %gather3A_365 = tpu.vector_load_idx %arg5[%add3A_364] : memref<320xi32, #tpu.memory_space<vmem>>[vector<16xi32>], vector<16xi32>,
      %mul3A_366 = arith.constant 3 : i32
      %mul3A_367 = vector.broadcast %mul3A_366 : i32 to vector<16xi32>
      %mul3A_368 = arith.muli %add3A_358, %mul3A_367 : vector<16xi32>
      %add3A_369 = arith.addi %mul3A_368, %gather3A_365 : vector<16xi32>
      %swap3A_370 = arith.constant 32 : index
      %swap3A_371 = tpu.vector_load %arg6[%swap3A_370] {strides = array<i32>} : memref<80xi32, #tpu.memory_space<vmem>>, vector<16xi32>,
      tpu.vector_store %arg6[%swap3A_370], %add3A_369 {strides = array<i32>} : memref<80xi32, #tpu.memory_space<vmem>>, vector<16xi32>,
      %mul3A_372 = arith.constant 4 : i32
      %mul3A_373 = vector.broadcast %mul3A_372 : i32 to vector<16xi32>
      %mul3A_374 = arith.muli %iota3A, %mul3A_373 : vector<16xi32>
      %add3A_375 = arith.constant 192 : i32
      %add3A_376 = vector.broadcast %add3A_375 : i32 to vector<16xi32>
      %add3A_377 = arith.addi %mul3A_374, %add3A_376 : vector<16xi32>
      %gather3A_378 = tpu.vector_load_idx %arg5[%add3A_377] : memref<320xi32, #tpu.memory_space<vmem>>[vector<16xi32>], vector<16xi32>,
      %mul3A_379 = arith.constant 4 : i32
      %mul3A_380 = vector.broadcast %mul3A_379 : i32 to vector<16xi32>
      %mul3A_381 = arith.muli %iota3A, %mul3A_380 : vector<16xi32>
      %add3A_382 = arith.constant 193 : i32
      %add3A_383 = vector.broadcast %add3A_382 : i32 to vector<16xi32>
      %add3A_384 = arith.addi %mul3A_381, %add3A_383 : vector<16xi32>
      %gather3A_385 = tpu.vector_load_idx %arg5[%add3A_384] : memref<320xi32, #tpu.memory_space<vmem>>[vector<16xi32>], vector<16xi32>,
      %mul3A_386 = arith.constant 3 : i32
      %mul3A_387 = vector.broadcast %mul3A_386 : i32 to vector<16xi32>
      %mul3A_388 = arith.muli %gather3A_378, %mul3A_387 : vector<16xi32>
      %add3A_389 = arith.addi %mul3A_388, %gather3A_385 : vector<16xi32>
      %mul3A_390 = arith.constant 4 : i32
      %mul3A_391 = vector.broadcast %mul3A_390 : i32 to vector<16xi32>
      %mul3A_392 = arith.muli %iota3A, %mul3A_391 : vector<16xi32>
      %add3A_393 = arith.constant 194 : i32
      %add3A_394 = vector.broadcast %add3A_393 : i32 to vector<16xi32>
      %add3A_395 = arith.addi %mul3A_392, %add3A_394 : vector<16xi32>
      %gather3A_396 = tpu.vector_load_idx %arg5[%add3A_395] : memref<320xi32, #tpu.memory_space<vmem>>[vector<16xi32>], vector<16xi32>,
      %mul3A_397 = arith.constant 3 : i32
      %mul3A_398 = vector.broadcast %mul3A_397 : i32 to vector<16xi32>
      %mul3A_399 = arith.muli %add3A_389, %mul3A_398 : vector<16xi32>
      %add3A_400 = arith.addi %mul3A_399, %gather3A_396 : vector<16xi32>
      %mul3A_401 = arith.constant 4 : i32
      %mul3A_402 = vector.broadcast %mul3A_401 : i32 to vector<16xi32>
      %mul3A_403 = arith.muli %iota3A, %mul3A_402 : vector<16xi32>
      %add3A_404 = arith.constant 195 : i32
      %add3A_405 = vector.broadcast %add3A_404 : i32 to vector<16xi32>
      %add3A_406 = arith.addi %mul3A_403, %add3A_405 : vector<16xi32>
      %gather3A_407 = tpu.vector_load_idx %arg5[%add3A_406] : memref<320xi32, #tpu.memory_space<vmem>>[vector<16xi32>], vector<16xi32>,
      %mul3A_408 = arith.constant 3 : i32
      %mul3A_409 = vector.broadcast %mul3A_408 : i32 to vector<16xi32>
      %mul3A_410 = arith.muli %add3A_400, %mul3A_409 : vector<16xi32>
      %add3A_411 = arith.addi %mul3A_410, %gather3A_407 : vector<16xi32>
      %swap3A_412 = arith.constant 48 : index
      %swap3A_413 = tpu.vector_load %arg6[%swap3A_412] {strides = array<i32>} : memref<80xi32, #tpu.memory_space<vmem>>, vector<16xi32>,
      tpu.vector_store %arg6[%swap3A_412], %add3A_411 {strides = array<i32>} : memref<80xi32, #tpu.memory_space<vmem>>, vector<16xi32>,
      %mul3A_414 = arith.constant 4 : i32
      %mul3A_415 = vector.broadcast %mul3A_414 : i32 to vector<16xi32>
      %mul3A_416 = arith.muli %iota3A, %mul3A_415 : vector<16xi32>
      %add3A_417 = arith.constant 256 : i32
      %add3A_418 = vector.broadcast %add3A_417 : i32 to vector<16xi32>
      %add3A_419 = arith.addi %mul3A_416, %add3A_418 : vector<16xi32>
      %gather3A_420 = tpu.vector_load_idx %arg5[%add3A_419] : memref<320xi32, #tpu.memory_space<vmem>>[vector<16xi32>], vector<16xi32>,
      %mul3A_421 = arith.constant 4 : i32
      %mul3A_422 = vector.broadcast %mul3A_421 : i32 to vector<16xi32>
      %mul3A_423 = arith.muli %iota3A, %mul3A_422 : vector<16xi32>
      %add3A_424 = arith.constant 257 : i32
      %add3A_425 = vector.broadcast %add3A_424 : i32 to vector<16xi32>
      %add3A_426 = arith.addi %mul3A_423, %add3A_425 : vector<16xi32>
      %gather3A_427 = tpu.vector_load_idx %arg5[%add3A_426] : memref<320xi32, #tpu.memory_space<vmem>>[vector<16xi32>], vector<16xi32>,
      %mul3A_428 = arith.constant 3 : i32
      %mul3A_429 = vector.broadcast %mul3A_428 : i32 to vector<16xi32>
      %mul3A_430 = arith.muli %gather3A_420, %mul3A_429 : vector<16xi32>
      %add3A_431 = arith.addi %mul3A_430, %gather3A_427 : vector<16xi32>
      %mul3A_432 = arith.constant 4 : i32
      %mul3A_433 = vector.broadcast %mul3A_432 : i32 to vector<16xi32>
      %mul3A_434 = arith.muli %iota3A, %mul3A_433 : vector<16xi32>
      %add3A_435 = arith.constant 258 : i32
      %add3A_436 = vector.broadcast %add3A_435 : i32 to vector<16xi32>
      %add3A_437 = arith.addi %mul3A_434, %add3A_436 : vector<16xi32>
      %gather3A_438 = tpu.vector_load_idx %arg5[%add3A_437] : memref<320xi32, #tpu.memory_space<vmem>>[vector<16xi32>], vector<16xi32>,
      %mul3A_439 = arith.constant 3 : i32
      %mul3A_440 = vector.broadcast %mul3A_439 : i32 to vector<16xi32>
      %mul3A_441 = arith.muli %add3A_431, %mul3A_440 : vector<16xi32>
      %add3A_442 = arith.addi %mul3A_441, %gather3A_438 : vector<16xi32>
      %mul3A_443 = arith.constant 4 : i32
      %mul3A_444 = vector.broadcast %mul3A_443 : i32 to vector<16xi32>
      %mul3A_445 = arith.muli %iota3A, %mul3A_444 : vector<16xi32>
      %add3A_446 = arith.constant 259 : i32
      %add3A_447 = vector.broadcast %add3A_446 : i32 to vector<16xi32>
      %add3A_448 = arith.addi %mul3A_445, %add3A_447 : vector<16xi32>
      %gather3A_449 = tpu.vector_load_idx %arg5[%add3A_448] : memref<320xi32, #tpu.memory_space<vmem>>[vector<16xi32>], vector<16xi32>,
      %mul3A_450 = arith.constant 3 : i32
      %mul3A_451 = vector.broadcast %mul3A_450 : i32 to vector<16xi32>
      %mul3A_452 = arith.muli %add3A_442, %mul3A_451 : vector<16xi32>
      %add3A_453 = arith.addi %mul3A_452, %gather3A_449 : vector<16xi32>
      %swap3A_454 = arith.constant 64 : index
      %swap3A_455 = tpu.vector_load %arg6[%swap3A_454] {strides = array<i32>} : memref<80xi32, #tpu.memory_space<vmem>>, vector<16xi32>,
      tpu.vector_store %arg6[%swap3A_454], %add3A_453 {strides = array<i32>} : memref<80xi32, #tpu.memory_space<vmem>>, vector<16xi32>,
      %dma_start3A_456 = arith.constant 0 : i32
      %dma_start3A_457 = arith.constant 0 : i32
      %dma_start3A_458 = tpu.memref_slice %arg2[%dma_start3A_456, %dma_start3A_457] : memref<81x512xf32, #tpu.memory_space<hbm>> -> memref<81x512xf32, #tpu.memory_space<hbm>>
      tpu.enqueue_indirect_dma source(%dma_start3A_458 : memref<81x512xf32, #tpu.memory_space<hbm>>) target(%arg8 : memref<80x512xf32, #tpu.memory_space<vmem>>) offsets(%arg6 : memref<80xi32, #tpu.memory_space<vmem>>) semaphore(%arg9 : memref<!tpu.dma_semaphore, #tpu.memory_space<semaphore_mem>>)
      %dma_wait3A_459 = arith.constant 0 : i32
      %dma_wait3A_460 = arith.constant 0 : i32
      %dma_wait3A_461 = tpu.memref_slice %arg2[%dma_wait3A_459, %dma_wait3A_460] : memref<81x512xf32, #tpu.memory_space<hbm>> -> memref<81x512xf32, #tpu.memory_space<hbm>>
      tpu.wait_indirect_dma semaphore(%arg9 : memref<!tpu.dma_semaphore, #tpu.memory_space<semaphore_mem>>) src(%dma_wait3A_461 : memref<81x512xf32, #tpu.memory_space<hbm>>) dst(%arg8 : memref<80x512xf32, #tpu.memory_space<vmem>>)
      %mul3A_462 = arith.constant 80 : i32
      %mul3A_463 = arith.muli %add3A_241, %mul3A_462 : i32
      %dma_start3A_464 = arith.constant 0 : i32
      %dma_start3A_465 = tpu.memref_slice %arg4[%mul3A_463, %dma_start3A_464] : memref<4000x512xf32, #tpu.memory_space<hbm>> -> memref<80x512xf32, #tpu.memory_space<hbm>>
      %dma_start3A_466 = arith.constant 0 : i32
      %dma_start3A_467 = tpu.memref_slice %arg4[%mul3A_463, %dma_start3A_466] : memref<4000x512xf32, #tpu.memory_space<hbm>> -> memref<80x512xf32, #tpu.memory_space<hbm>>
      tpu.enqueue_dma source(%arg8 : memref<80x512xf32, #tpu.memory_space<vmem>>) target(%dma_start3A_467 : memref<80x512xf32, #tpu.memory_space<hbm>>) target_semaphore(%arg11 : memref<!tpu.dma_semaphore, #tpu.memory_space<semaphore_mem>>)
    } else {
    }
    %dma_wait3A_227 = arith.constant 0 : i32
    %dma_wait3A_228 = arith.constant 0 : i32
    %dma_wait3A_229 = tpu.memref_slice %arg4[%dma_wait3A_227, %dma_wait3A_228] : memref<4000x512xf32, #tpu.memory_space<hbm>> -> memref<80x512xf32, #tpu.memory_space<hbm>>
    %dma_wait3A_230 = arith.constant 0 : i32
    %dma_wait3A_231 = arith.constant 0 : i32
    %dma_wait3A_232 = tpu.memref_slice %arg4[%dma_wait3A_230, %dma_wait3A_231] : memref<4000x512xf32, #tpu.memory_space<hbm>> -> memref<80x512xf32, #tpu.memory_space<hbm>>
    tpu.wait_dma2 semaphore(%arg10 : memref<!tpu.dma_semaphore, #tpu.memory_space<semaphore_mem>>) src(%arg7 : memref<80x512xf32, #tpu.memory_space<vmem>>) dst(%dma_wait3A_232 : memref<80x512xf32, #tpu.memory_space<hbm>>)
    %add3A_233 = arith.constant 32 : i32
    %add3A_234 = arith.addi %add3A, %add3A_233 : i32
    %lt3A_235 = arith.constant 50 : i32
    %lt3A_236 = arith.cmpi slt, %add3A_234, %lt3A_235 : i32
    %convert_element_type3A_237 = arith.extui %lt3A_236 : i1 to i32
    %cond3A_238 = arith.constant 0 : i32
    %cond3A_239 = arith.cmpi ne, %convert_element_type3A_237, %cond3A_238 : i32
    scf.if %cond3A_239 {
      %dma_wait3A_240 = arith.constant 0 : i32
      %dma_wait3A_241 = arith.constant 0 : i32
      %dma_wait3A_242 = tpu.memref_slice %arg4[%dma_wait3A_240, %dma_wait3A_241] : memref<4000x512xf32, #tpu.memory_space<hbm>> -> memref<80x512xf32, #tpu.memory_space<hbm>>
      %dma_wait3A_243 = arith.constant 0 : i32
      %dma_wait3A_244 = arith.constant 0 : i32
      %dma_wait3A_245 = tpu.memref_slice %arg4[%dma_wait3A_243, %dma_wait3A_244] : memref<4000x512xf32, #tpu.memory_space<hbm>> -> memref<80x512xf32, #tpu.memory_space<hbm>>
      tpu.wait_dma2 semaphore(%arg11 : memref<!tpu.dma_semaphore, #tpu.memory_space<semaphore_mem>>) src(%arg8 : memref<80x512xf32, #tpu.memory_space<vmem>>) dst(%dma_wait3A_245 : memref<80x512xf32, #tpu.memory_space<hbm>>)
    } else {
    }
    return
  }
}

module attributes {stable_mosaic.version = 14 : i64} {
  func.func @body(%arg0: i32, %arg1: memref<1x2x4000xi32, #tpu.memory_space<vmem>>, %arg2: memref<8x256xbf16, #tpu.memory_space<vmem>>, %arg3: memref<4000x256xf32, #tpu.memory_space<vmem>>, %arg4: memref<4000x256xf32, #tpu.memory_space<vmem>>) attributes {dimension_semantics = [#tpu.dimension_semantics<arbitrary>], iteration_bounds = array<i64: 25>, scalar_prefetch = 0 : i64, scratch_operands = 0 : i64, tpu.core_type = #tpu.core_type<tc>, window_params = [{transform_indices = @transform_0, window_bounds = array<i64: 1, 2, 4000>}, {pipeline_mode = #tpu.pipeline_mode<synchronous>, transform_indices = @transform_1, window_bounds = array<i64: 8, 256>}, {transform_indices = @transform_2, window_bounds = array<i64: 4000, 256>}, {transform_indices = @transform_3, window_bounds = array<i64: 4000, 256>}]} {
    %lt3A = arith.constant 2 : i32
    %lt3A_0 = arith.cmpi slt, %arg0, %lt3A : i32
    %convert_element_type3A = arith.extui %lt3A_0 : i1 to i32
    %cond3A = arith.constant 0 : i32
    %cond3A_1 = arith.cmpi ne, %convert_element_type3A, %cond3A : i32
    scf.if %cond3A_1 {
      %get3A = arith.constant 0 : index
      %get3A_6 = arith.constant 0 : index
      %get3A_7 = vector.load %arg3[%get3A, %get3A_6] : memref<4000x256xf32, #tpu.memory_space<vmem>>, vector<4000x256xf32>
      %swap3A = arith.constant 0 : index
      %swap3A_8 = arith.constant 0 : index
      %swap3A_9 = vector.load %arg4[%swap3A, %swap3A_8] : memref<4000x256xf32, #tpu.memory_space<vmem>>, vector<4000x256xf32>
      tpu.vector_store %arg4[%swap3A, %swap3A_8], %get3A_7 {strides = array<i32>} : memref<4000x256xf32, #tpu.memory_space<vmem>>, vector<4000x256xf32>,
    } else {
    }
    %ge3A = arith.constant 2 : i32
    %ge3A_2 = arith.cmpi sge, %arg0, %ge3A : i32
    %convert_element_type3A_3 = arith.extui %ge3A_2 : i1 to i32
    %cond3A_4 = arith.constant 0 : i32
    %cond3A_5 = arith.cmpi ne, %convert_element_type3A_3, %cond3A_4 : i32
    scf.if %cond3A_5 {
      %get3A = arith.constant 0 : index
      %get3A_6 = arith.constant 0 : index
      %get3A_7 = arith.constant 0 : index
      %get3A_8 = vector.load %arg1[%get3A, %get3A_6, %get3A_7] : memref<1x2x4000xi32, #tpu.memory_space<vmem>>, vector<1x1x4000xi32>
      %get3A_9 = vector.shape_cast %get3A_8 : vector<1x1x4000xi32> to vector<1x4000xi32>
      %get3A_10 = arith.constant 0 : index
      %get3A_11 = arith.constant 1 : index
      %get3A_12 = arith.constant 0 : index
      %get3A_13 = vector.load %arg1[%get3A_10, %get3A_11, %get3A_12] : memref<1x2x4000xi32, #tpu.memory_space<vmem>>, vector<1x1x4000xi32>
      %get3A_14 = vector.shape_cast %get3A_13 : vector<1x1x4000xi32> to vector<1x4000xi32>
      %iota3A = tpu.iota {dimensions = array<i32: 0>} : vector<8x4000xi32>
      %eq3A = vector.broadcast %get3A_9 : vector<1x4000xi32> to vector<8x4000xi32>
      %eq3A_15 = arith.cmpi eq, %iota3A, %eq3A : vector<8x4000xi32>
      %add3A = arith.constant 3 : i32
      %add3A_16 = vector.broadcast %add3A : i32 to vector<1x4000xi32>
      %add3A_17 = arith.addi %get3A_14, %add3A_16 : vector<1x4000xi32>
      %eq3A_18 = vector.broadcast %add3A_17 : vector<1x4000xi32> to vector<8x4000xi32>
      %eq3A_19 = arith.cmpi eq, %iota3A, %eq3A_18 : vector<8x4000xi32>
      %or3A = arith.ori %eq3A_15, %eq3A_19 : vector<8x4000xi1>
      %convert_element_type3A_20 = arith.extui %or3A : vector<8x4000xi1> to vector<8x4000xi32>
      %convert_element_type3A_21 = arith.sitofp %convert_element_type3A_20 : vector<8x4000xi32> to vector<8x4000xf32>
      %convert_element_type3A_22 = arith.truncf %convert_element_type3A_21 : vector<8x4000xf32> to vector<8x4000xbf16>
      %get3A_23 = arith.constant 0 : index
      %get3A_24 = arith.constant 0 : index
      %get3A_25 = vector.load %arg2[%get3A_23, %get3A_24] : memref<8x256xbf16, #tpu.memory_space<vmem>>, vector<8x256xbf16>
      %dot_general3A = arith.constant dense<0.000000e+00> : vector<4000x256xf32>
      %dot_general3A_26 = tpu.matmul %convert_element_type3A_22, %get3A_25, %dot_general3A {dimension_numbers = #tpu.dot_dimension_numbers<[0], [0], [1], [1], [0, 1, 1, 1], [], []>, transpose_lhs_hint = false} : vector<8x4000xbf16>, vector<8x256xbf16>, vector<4000x256xf32> -> vector<4000x256xf32>
      %swap3A = arith.constant 0 : index
      %swap3A_27 = arith.constant 0 : index
      %swap3A_28 = vector.load %arg4[%swap3A, %swap3A_27] : memref<4000x256xf32, #tpu.memory_space<vmem>>, vector<4000x256xf32>
      tpu.vector_store %arg4[%swap3A, %swap3A_27], %dot_general3A_26 {strides = array<i32>} : memref<4000x256xf32, #tpu.memory_space<vmem>>, vector<4000x256xf32>,
    } else {
    }
    return
  }
  func.func @transform_0(%arg0: i32) -> (i32, i32, i32) {
    %c0_i32 = arith.constant 0 : i32
    %c0_i32_0 = arith.constant 0 : i32
    %c0_i32_1 = arith.constant 0 : i32
    return %arg0, %c0_i32, %c0_i32_0 : i32, i32, i32
  }
  func.func @transform_1(%arg0: i32) -> (i32, i32) {
    %c0_i32 = arith.constant 0 : i32
    %c0_i32_0 = arith.constant 0 : i32
    %c0_i32_1 = arith.constant 0 : i32
    return %c0_i32, %c0_i32_0 : i32, i32
  }
  func.func @transform_2(%arg0: i32) -> (i32, i32) {
    %min3A = arith.constant 1 : i32
    %min3A_0 = arith.minsi %arg0, %min3A : i32
    %c0_i32 = arith.constant 0 : i32
    %c0_i32_1 = arith.constant 0 : i32
    return %min3A_0, %c0_i32 : i32, i32
  }
  func.func @transform_3(%arg0: i32) -> (i32, i32) {
    %c0_i32 = arith.constant 0 : i32
    %c0_i32_0 = arith.constant 0 : i32
    return %arg0, %c0_i32 : i32, i32
  }
}

</mosaic_0001>

<sc_bundles>
// kernel: kernel.4.cloned.1.call-start
scs
__scs_entry_jumppad:
0x0: {  	(pc) =	sbr.rel $0x88, $3  }
0x1: {  	(tag) =	ssettag $0x0;
	lr =	simm.s32 $0x1  }
0x2: {  	[smem:$0x3F9E] =	sst lr;
	_ =	strace $0xD0000000  }
0x3: {  	_ = 	snop  }
0x4: {  	_ = 	snop  }
0x5: {  	_ = 	snop  }
0x6: {  	_ = 	snop  }
0x7: {  	_ = 	snop  }
__scs_overlays_trampoline_lowered:
0x8: {  	[smem:$0x3FAD] =	sst s0  }
0x9: {  	[smem:$0x3FAE] =	sst s1  }
0xa: {  	[smem:$0x3FAF] =	sst s2  }
0xb: {  	[smem:$0x3FB0] =	sst s3  }
0xc: {  	[smem:$0x3FB1] =	sst s4  }
0xd: {  	[smem:$0x3FB2] =	sst s5  }
0xe: {  	[smem:$0x3FB3] =	sst s6  }
0xf: {  	[smem:$0x3FB4] =	sst s7  }
0x10: {  	[smem:$0x3FB5] =	sst s8  }
0x11: {  	[smem:$0x3FB6] =	sst s9;
	s0 =	simm.s32 @!p0 $0x0  }
0x12: {  	s1 =	sld [smem:$0x3F9C];
	s0 =	simm.s32 @p0 $0x1  }
0x13: {  	[smem:$0x3FB7] =	sst s0;
	s0 =	simm.s32 @!p1 $0x0  }
0x14: {  	s2 =	sld [smem:$0x3F9B];
	s0 =	simm.s32 @p1 $0x1  }
0x15: {  	[smem:$0x3FB8] =	sst s0;
	s0 =	simm.s32 @!p2 $0x0  }
0x16: {  	s3 =	sld [smem:$0x3FDB];
	s0 =	simm.s32 @p2 $0x1  }
0x17: {  	s4 =	simm.s32 $0x1BF5;
	[smem:$0x3FBA] =	sst s0  }
0x18: {  	s0 =	sld [smem:$0x3F9D];
	_ =	swait.ge [sflag:s4], $0x0  }
0x19: {  	s7 =	sld [smem:$0x3F9E]  }
0x1a: {  	s8 =	sadd.s32 $0xFFFFE003, lr  }
0x1b: {  	s9 =	sadd.s32 $0xFFFFFEF7, lr;
	s5 =	simm.s32 $0xFFFFFFFF;
	p2 =	slt.u32 s8, $0xFFFFF086  }
0x1c: {  	p1 =	slt.u32 s9, $0xF7A;
	s5 =	simm.s32 @!p2 $0x0  }
0x1d: {  	s5 =	simm.s32 @p1 $0x1;
	p0 =	seq.s32 s7, s2  }
0x1e: {  	s7 =	smul.u32 @!p0 $0xF7A, s2;
	p2 =	seq.s32 @!p0 s5, $0x0  }
0x1f: {  	s9 =	smul.u32 $0xF7A, s1;
	s8 =	simm.s32 @!p0 $0x1BF5;
	p2 =	por !p2, p0  }
0x20: {  	[sflag:s8] =	ssyncset.s32 @!p0 $0xFFFFF086;
	s6 =	sadd.s32 @!p0 s3, s7;
	s7 =	simm.s32 @!p0 $0x108  }
0x21: {  	s3 =	sadd.s32 s3, s9;
	s6 =	sadd.s32 @!p0 $0x88, s6;
	s7 =	simm.s32 @p2 $0x1082  }
0x22: {  	[simem:s7], [sflag:s8] =	dma.local @!p0 [hbm:s6], $0xF7A  }
0x23: {  	s9 =	sor.u32 $0xD0000000, s2;
	s6 =	simm.s32 $0x108;
	_ =	swait.ge @!p0 [sflag:s8], $0x0  }
0x24: {  	s3 =	sadd.s32 $0x88, s3;
	s6 =	simm.s32 @!p1 $0x1082;
	[sflag:s4] =	ssyncset.s32 $0xFFFFF086  }
0x25: {  	[simem:s6], [sflag:s4] =	dma.local [hbm:s3], $0xF7A  }
0x26: {  	[smem:$0x3F9E] =	sst s1;
	(tag) =	ssettag s2;
	_ =	strace s9  }
0x27: {  	s1 =	sld [smem:$0x3FAE]  }
0x28: {  	s2 =	sld [smem:$0x3FAF]  }
0x29: {  	s4 =	sld [smem:$0x3FB1]  }
0x2a: {  	p0 =	seq.s32 s5, $0x0;
	s5 =	sld [smem:$0x3FB2]  }
0x2b: {  	s6 =	sld [smem:$0x3FB3]  }
0x2c: {  	s7 =	sld [smem:$0x3FB4]  }
0x2d: {  	s3 =	simm.s32 $0x108;
	s8 =	sld [smem:$0x3FB5]  }
0x2e: {  	s3 =	simm.s32 @!p0 $0x1082;
	s9 =	sld [smem:$0x3FB6]  }
0x2f: {  	lr =	sadd.s32 s0, s3;
	s0 =	sld [smem:$0x3FAD]  }
0x30: {  	s3 =	sld [smem:$0x3FB0]  }
0x31: {  	[smem:$0x3FB9] =	sst s10  }
0x32: {  	s10 =	sld [smem:$0x3FB7];
	_ =	sdelay $0x3  }
0x33: {  	p0 =	seq.s32 s10, $0x1;
	s10 =	sld [smem:$0x3FB9];
	_ =	sdelay $0x3  }
0x34: {  	[smem:$0x3FB9] =	sst s10  }
0x35: {  	s10 =	sld [smem:$0x3FB8];
	_ =	sdelay $0x3  }
0x36: {  	p1 =	seq.s32 s10, $0x1;
	s10 =	sld [smem:$0x3FB9];
	_ =	sdelay $0x3  }
0x37: {  	[smem:$0x3FB9] =	sst s10  }
0x38: {  	s10 =	sld [smem:$0x3FBA]  }
0x39: {  	_ = 	snop;
	(pc) =	sbr.ind lr, $3  }
0x3a: {  	_ = 	snop  }
0x3b: {  	_ = 	snop  }
0x3c: {  	p2 =	seq.s32 s10, $0x1;
	s10 =	sld [smem:$0x3FB9]  }
0x3d: {  	_ =	shalt  }
0x3e: {  	_ =	shalt  }
0x3f: {  	_ =	shalt  }
0x40: {  	_ =	shalt  }
0x41: {  	_ =	shalt  }
0x42: {  	_ =	shalt  }
0x43: {  	_ =	shalt  }
0x44: {  	_ =	shalt  }
0x45: {  	_ =	shalt  }
0x46: {  	_ =	shalt  }
0x47: {  	_ =	shalt  }
0x48: {  	_ =	shalt  }
0x49: {  	_ =	shalt  }
0x4a: {  	_ =	shalt  }
0x4b: {  	_ =	shalt  }
0x4c: {  	_ =	shalt  }
0x4d: {  	_ =	shalt  }
0x4e: {  	_ =	shalt  }
0x4f: {  	_ =	shalt  }
0x50: {  	_ =	shalt  }
0x51: {  	_ =	shalt  }
0x52: {  	_ =	shalt  }
0x53: {  	_ =	shalt  }
0x54: {  	_ =	shalt  }
0x55: {  	_ =	shalt  }
0x56: {  	_ =	shalt  }
0x57: {  	_ =	shalt  }
0x58: {  	_ =	shalt  }
0x59: {  	_ =	shalt  }
0x5a: {  	_ =	shalt  }
0x5b: {  	_ =	shalt  }
0x5c: {  	_ =	shalt  }
0x5d: {  	_ =	shalt  }
0x5e: {  	_ =	shalt  }
0x5f: {  	_ =	shalt  }
0x60: {  	_ =	shalt  }
0x61: {  	_ =	shalt  }
0x62: {  	_ =	shalt  }
0x63: {  	_ =	shalt  }
0x64: {  	_ =	shalt  }
0x65: {  	_ =	shalt  }
0x66: {  	_ =	shalt  }
0x67: {  	_ =	shalt  }
0x68: {  	_ =	shalt  }
0x69: {  	_ =	shalt  }
0x6a: {  	_ =	shalt  }
0x6b: {  	_ =	shalt  }
0x6c: {  	_ =	shalt  }
0x6d: {  	_ =	shalt  }
0x6e: {  	_ =	shalt  }
0x6f: {  	_ =	shalt  }
0x70: {  	_ =	shalt  }
0x71: {  	_ =	shalt  }
0x72: {  	_ =	shalt  }
0x73: {  	_ =	shalt  }
0x74: {  	_ =	shalt  }
0x75: {  	_ =	shalt  }
0x76: {  	_ =	shalt  }
0x77: {  	_ =	shalt  }
0x78: {  	_ =	shalt  }
0x79: {  	_ =	shalt  }
0x7a: {  	_ =	shalt  }
0x7b: {  	_ =	shalt  }
0x7c: {  	_ =	shalt  }
0x7d: {  	_ =	shalt  }
0x7e: {  	_ =	shalt  }
0x7f: {  	_ =	shalt  }
0x80: {  	_ =	shalt  }
0x81: {  	_ =	shalt  }
0x82: {  	_ =	shalt  }
0x83: {  	_ =	shalt  }
0x84: {  	_ =	shalt  }
0x85: {  	_ =	shalt  }
0x86: {  	_ =	shalt  }
0x87: {  	_ =	shalt  }
.Lfunc_end0:
.L_simem_size_0:
called_computation_lowered:
.L_overlay_start_0:
0x88: {  	s2 =	sld [smem:$0x3FD9]  }
0x89: {  	s3 =	sld [smem:$0x3FFE];
	_ =	sdelay $0x1  }
0x8a: {  	s1 =	srdreg.scid  }
0x8b: {  	s0 =	sand.u32 $0x1, s1  }
0x8c: {  	s17 =	sshll.u32 s0, $0xA;
	s2 =	sadd.s32 s3, s2  }
0x8d: {  	s2 =	sadd.s32 s2, s17  }
0x8e: {  	[smem:$0x3FC5] =	sst s2  }
0x8f: {  	_ = 	snop  }
0x90: {  	s2 =	sld [smem:$0x3FD0];
	(tm) =	ssettm $0x1  }
0x91: {  	s18 =	sld [smem:$0x3FFB];
	_ =	sdelay $0x3  }
0x92: {  	_ =	strace s18  }
0x93: {  	s3 =	sld [smem:$0x3FFC];
	_ =	sdelay $0x3  }
0x94: {  	_ =	strace s3  }
0x95: {  	s3 =	sld [smem:$0x3FFD];
	_ =	sdelay $0x3  }
0x96: {  	_ =	strace s3  }
0x97: {  	_ =	strace $0x8FFFFFFF  }
0x98: {  	s19 =	sld [smem:$0x3FDB];
	_ =	sdelay $0x1  }
0x99: {  	s4 =	simm.s32 $_scs_section_size  }
0x9a: {  	s5 =	simm.s32 $_size__tile_overlayer_lowered;
	s6 =	simm.s32 $_tile_overlayer_lowered  }
0x9b: {  	s22 =	simm.s32 $0x1BFF;
	s21 =	sshll.u32 s6, $0x1;
	s3 =	sadd.s32 s4, s19  }
0x9c: {  	s7 =	simm.s32 $0x0;
	s20 =	sshll.u32 s5, $0x1;
	s5 =	sadd.s32 s21, s3  }
0x9d: {  	[timem:s7], [sflag:s22] =	dma.local [hbm:s5], s20  }
0x9e: {  	_ =	swait.ge [sflag:s22], s20  }
0x9f: {  	s4 =	ssub.s32 $0x0, s20;
	[sflag:s22] =	ssyncset.done $0x0  }
0xa0: {  	[sflag:s22] =	ssyncadd.s32 s4;
	_ =	sdelay $0x1  }
0xa1: {  	s23 =	simm.s32 $0x1B8B  }
0xa2: {  	_ =	swait.ge [sflag:s23], $0x1  }
0xa3: {  	[sflag:s23] =	ssyncset.done $0x0  }
0xa4: {  	s25 =	simm.s32 $0x1B8E;
	s24 =	sld [smem:$0x3FFE];
	[sflag:s23] =	ssyncadd.s32 $0xFFFFFFFF  }
0xa5: {  	s26 =	simm.s32 $execute0_lowered;
	[smem:$0x3FD2] =	sst s25  }
0xa6: {  	s5 =	sshll.u32 s26, $0x1;
	_ =	strace $0x80000046;
	[dreg:$0x1] =	wrdreg $0xFFFFFFFF  }
0xa7: {  	s28 =	simm.s32 $_size_execute0_lowered;
	s3 =	sadd.s32 s3, s5;
	[dreg:$0x0] =	wrdreg $0x0  }
0xa8: {  	s5 =	sshll.u32 s28, $0x1;
	[dreg:$0x2] =	wrdreg s3  }
0xa9: {  	[dreg:$0x3] =	wrdreg s5  }
0xaa: {  	[dreg:$0x4] =	wrdreg $0xC0  }
0xab: {  	_ =	task [dreg:s7], $0x5FFFF  }
0xac: {  	[dreg:$0x1] =	wrdreg $0xFFFFFFFF  }
0xad: {  	[dreg:$0x0] =	wrdreg $0x60  }
0xae: {  	[dreg:$0x2] =	wrdreg s24  }
0xaf: {  	[dreg:$0x3] =	wrdreg s2  }
0xb0: {  	[dreg:$0x4] =	wrdreg $0x9  }
0xb1: {  	_ =	task.clear_ibuf [dreg:s7], $0x5FFFF;
	_ =	strace $0x90000046  }
0xb2: {  	s29 =	simm.s32 $0x9;
	_ =	strace $0x80000048  }
0xb3: {  	_ =	swait.ge [sflag:s29], $0x1  }
0xb4: {  	[sflag:s29] =	ssyncadd.s32 $0xFFFFFFFF  }
0xb5: {  	_ =	strace $0x90000048  }
0xb6: {  	_ =	sfence  }
0xb7: {  	s30 =	sld [smem:$0x0];
	_ =	sdelay $0x2  }
0xb8: {  	s31 =	sshll.u32 s1, $0xD;
	s1 =	sshrl.u32 s1, $0x2  }
0xb9: {  	s3 =	sand.u32 $0x4000, s31;
	s1 =	sadd.s32 s1, s30  }
0xba: {  	s0 =	sor.u32 s3, s0;
	s1 =	sshll.u32 s1, $0x11  }
0xbb: {  	s0 =	sor.u32 s1, s0  }
0xbc: {  	s0 =	sadd.s32 $0x8F2B, s0  }
0xbd: {  	[sflag:s0] =	ssyncadd.remote.s32 $0x1  }
0xbe: {  	_ =	sfence.sel $0xFFFF  }
0xbf: {  	[dreg:$0x0] =	wrdreg $0xFFFFFFFF;
	(pc) =	sbr.abs _section_cstart, $3  }
0xc0: {  	[dreg:$0x1] =	wrdreg $0xFFFFFFFF  }
0xc1: {  	_ =	task.clear_ibuf [dreg:s7], $0x2FFFF;
	_ =	strace $0x9FFFFFFF  }
0xc2: {  	(tm) =	ssettm $0x7FFFFFFF  }
0xc3: {  	_ =	shalt  }
tec
execute0_lowered:
.L_overlay_start_1:
0x0: {  	(tag) =	ssettag $0x1  }
0x1: {  	s0 =	rddreg [dreg:$0x0];
	s1 =	srdreg.scid  }
0x2: {  	s12 =	stileid.u32;
	s8 =	rddreg [dreg:$0x1];
	s2 =	simm.s32 $0x0  }
0x3: {  	s14 =	simm.s32 $0x1A00;
	s15 =	simm.s32 $0x2200;
	s16 =	simm.s32 $0x2A00  }
0x4: {  	s17 =	simm.s32 $0x3200;
	s18 =	simm.s32 $0x3A00;
	s19 =	simm.s32 $0x4200  }
0x5: {  	s20 =	simm.s32 $0x4A00;
	s21 =	simm.s32 $0x5200;
	s22 =	simm.s32 $0x5A00  }
0x6: {  	s23 =	simm.s32 $0x6200;
	s24 =	simm.s32 $0x6A00;
	s25 =	simm.s32 $0x7200  }
0x7: {  	s26 =	simm.s32 $0x7A00;
	s28 =	simm.s32 $0x8200;
	s29 =	simm.s32 $0x8A00  }
0x8: {  	v22 =	vlaneseq.u32;
	s30 =	simm.s32 $0x9200;
	s1 =	sand.u32 $0x1, s1;
	s3 =	sshll.u32 s12, $0x1  }
0x9: {  	s31 =	simm.s32 $0x9A00;
	[smem:$0x7FF] =	sst s2;
	v0 =	vmul.u32 $0x4, v22;
	s3 =	sor.u32 s1, s3  }
0xa: {  	vm0 =	vmmov $0xffff;
	s9 =	sadd.s32 $0x2000, s0;
	p0 =	sgt.u32 s12, $0x8;
	v21 =	vshrl.u32 v22, $0x3;
	v20 =	vand.u32 $0x7, v22;
	s4 =	smul.u32 $0x28, s3  }
0xb: {  	v22 =	vor.u32 $0x8, v22;
	s12 =	simm.s32 $0x2;
	v21 =	vmul.u32 $0x8, v21;
	s6 =	smul.u32 $0x1400, s3;
	s5 =	sor.u32 $0x20, s3;
	v1 =	vor.u32 $0x1, v0  }
0xc: {  	_ =	strace $0x80000047;
	s1 =	ssub.s32 $0x2, s1;
	v2 =	vor.u32 $0x2, v0;
	v3 =	vor.u32 $0x3, v0;
	v4 =	vor.u32 $0x40, v0;
	s7 =	smul.u32 $0x28, s5  }
.Ltmp0:
0xd: {  	s3 =	sadd.s32 $0xA00, s0;
	s10 =	sshrl.u32 s1, $0x1;
	v5 =	vor.u32 $0x41, v0;
	v6 =	vor.u32 $0x42, v0;
	v7 =	vor.u32 $0x43, v0;
	(pc) =	sbr.rel .LBB2_1-.Ltmp0, $4  }
0xe: {  	v8 =	vor.u32 $0x80, v0;
	v9 =	vor.u32 $0x81, v0;
	v10 =	vor.u32 $0x82, v0;
	s11 =	smul.u32 $0x1400, s5;
	s1 =	ssub.s32 s1, s10;
	s5 =	sadd.s32 $0xB00, s0  }
0xf: {  	v11 =	vor.u32 $0x83, v0;
	v12 =	vor.u32 $0xC0, v0;
	v13 =	vor.u32 $0xC1, v0;
	s10 =	simm.s32 $0x4;
	s0 =	simm.s32 $0xA200;
	s4 =	sadd.s32 s9, s4  }
0x10: {  	v14 =	vor.u32 $0xC2, v0;
	v15 =	vor.u32 $0xC3, v0;
	v16 =	vor.u32 $0x100, v0;
	s6 =	sadd.s32 s8, s6;
	s7 =	sadd.s32 s9, s7;
	s8 =	sadd.s32 s8, s11  }
0x11: {  	v17 =	vor.u32 $0x101, v0;
	v18 =	vor.u32 $0x102, v0;
	v19 =	vor.u32 $0x103, v0;
	s9 =	smax.u32 s1, $0x1;
	s11 =	simm.s32 $0x200;
	s1 =	simm.s32 $0x1  }
.LBB2_3:
0x12: {  	s9 =	sadd.s32 $0xFFFFFFFF, s9  }
0x13: {  	p1 =	sne.s32 s9, $0x0  }
.Ltmp1:
0x14: {  	_ = 	snop;
	(pc) =	sbr.rel @!p1 .LBB2_4-.Ltmp1, $4  }
0x15: {  	_ = 	snop  }
0x16: {  	_ =	swait.ge [sflag:s13], $0xA000  }
0x17: {  	[sflag:s13] =	ssyncset.done $0x0  }
0x18: {  	[sflag:s13] =	ssyncadd.s32 $0xFFFF6000  }
.LBB2_1:
0x19: {  	[tilespmem:s2], [sflag:$0x4] =	stream.linear.gather [hbm4b:s4+s2], $0x140, $0x38;
	[tilespmem:$0x14200] =	vst v63  }
0x1a: {  	_ =	swait.ge [sflag:s10], $0x140  }
0x1b: {  	[sflag:s10] =	ssyncset.done $0x0  }
0x1c: {  	[sflag:s10] =	ssyncadd.s32 $0xFFFFFEC0  }
0x1d: {  	v23 =	vld.idx.msk [tilespmem:v0+s2+$0x0], $0xffff;
	_ =	sdelay $0x1  }
0x1e: {  	v24 =	vld.idx.msk [tilespmem:v1+s2+$0x0], $0xffff;
	_ =	sdelay $0x2  }
0x1f: {  	v25 =	vld.idx.msk [tilespmem:v2+s2+$0x0], $0xffff;
	v23 =	vmul.u32 $0x3, v23;
	_ =	sdelay $0x1  }
0x20: {  	v23 =	vadd.s32 v24, v23  }
0x21: {  	v46 =	vld.idx.msk [tilespmem:v3+s2+$0x0], $0xffff;
	v23 =	vmul.u32 $0x3, v23;
	_ =	sdelay $0x1  }
0x22: {  	v23 =	vadd.s32 v25, v23  }
0x23: {  	v23 =	vmul.u32 $0x3, v23;
	_ =	sdelay $0x1  }
0x24: {  	v23 =	vadd.s32 v46, v23  }
0x25: {  	[tilespmem:$0x180] =	vst v23  }
0x26: {  	v47 =	vld.idx.msk [tilespmem:v4+s2+$0x0], $0xffff;
	_ =	sdelay $0x1  }
0x27: {  	v48 =	vld.idx.msk [tilespmem:v5+s2+$0x0], $0xffff;
	_ =	sdelay $0x2  }
0x28: {  	v26 =	vld.idx.msk [tilespmem:v6+s2+$0x0], $0xffff;
	v24 =	vmul.u32 $0x3, v47;
	_ =	sdelay $0x1  }
0x29: {  	v24 =	vadd.s32 v48, v24  }
0x2a: {  	v49 =	vld.idx.msk [tilespmem:v7+s2+$0x0], $0xffff;
	v24 =	vmul.u32 $0x3, v24;
	_ =	sdelay $0x1  }
0x2b: {  	v24 =	vadd.s32 v26, v24  }
0x2c: {  	v24 =	vmul.u32 $0x3, v24;
	_ =	sdelay $0x1  }
0x2d: {  	v24 =	vadd.s32 v49, v24  }
0x2e: {  	[tilespmem:$0x190] =	vst v24  }
0x2f: {  	v24 =	vld.idx.msk [tilespmem:v8+s2+$0x0], $0xffff;
	_ =	sdelay $0x1  }
0x30: {  	v50 =	vld.idx.msk [tilespmem:v9+s2+$0x0], $0xffff;
	_ =	sdelay $0x2  }
0x31: {  	v51 =	vld.idx.msk [tilespmem:v10+s2+$0x0], $0xffff;
	v24 =	vmul.u32 $0x3, v24;
	_ =	sdelay $0x1  }
0x32: {  	v24 =	vadd.s32 v50, v24  }
0x33: {  	v52 =	vld.idx.msk [tilespmem:v11+s2+$0x0], $0xffff;
	v24 =	vmul.u32 $0x3, v24;
	_ =	sdelay $0x1  }
0x34: {  	v24 =	vadd.s32 v51, v24  }
0x35: {  	v24 =	vmul.u32 $0x3, v24;
	_ =	sdelay $0x1  }
0x36: {  	v24 =	vadd.s32 v52, v24  }
0x37: {  	[tilespmem:$0x1A0] =	vst v24  }
0x38: {  	v24 =	vld.idx.msk [tilespmem:v12+s2+$0x0], $0xffff;
	_ =	sdelay $0x1  }
0x39: {  	v53 =	vld.idx.msk [tilespmem:v13+s2+$0x0], $0xffff;
	_ =	sdelay $0x2  }
0x3a: {  	v54 =	vld.idx.msk [tilespmem:v14+s2+$0x0], $0xffff;
	v24 =	vmul.u32 $0x3, v24;
	_ =	sdelay $0x1  }
0x3b: {  	v24 =	vadd.s32 v53, v24  }
0x3c: {  	v55 =	vld.idx.msk [tilespmem:v15+s2+$0x0], $0xffff;
	v24 =	vmul.u32 $0x3, v24;
	_ =	sdelay $0x1  }
0x3d: {  	v24 =	vadd.s32 v54, v24  }
0x3e: {  	v24 =	vmul.u32 $0x3, v24;
	_ =	sdelay $0x1  }
0x3f: {  	v24 =	vadd.s32 v55, v24  }
0x40: {  	[tilespmem:$0x1B0] =	vst v24  }
0x41: {  	v24 =	vld.idx.msk [tilespmem:v16+s2+$0x0], $0xffff;
	_ =	sdelay $0x1  }
0x42: {  	v56 =	vld.idx.msk [tilespmem:v17+s2+$0x0], $0xffff;
	_ =	sdelay $0x2  }
0x43: {  	v27 =	vshll.u32 v23, $0x2;
	v57 =	vld.idx.msk [tilespmem:v18+s2+$0x0], $0xffff;
	v24 =	vmul.u32 $0x3, v24  }
0x44: {  	v23 =	vand.u32 $0x7, v23;
	v27 =	vand.u32 $0xFFFFFFE0, v27  }
0x45: {  	v23 =	vor.u32 v23, v27;
	v24 =	vadd.s32 v56, v24  }
0x46: {  	v27 =	vperm.xlane v23, v20;
	v58 =	vld.idx.msk [tilespmem:v19+s2+$0x0], $0xffff;
	v24 =	vmul.u32 $0x3, v24;
	_ =	sdelay $0x1  }
0x47: {  	v59 =	vadd.s32 v21, v27;
	v24 =	vadd.s32 v57, v24  }
0x48: {  	v24 =	vmul.u32 $0x3, v24  }
0x49: {  	v23 =	vperm.xlane v23, v22  }
0x4a: {  	v24 =	vadd.s32 v58, v24  }
0x4b: {  	v23 =	vadd.s32 v21, v23;
	[tilespmem:$0x1C0] =	vst v24  }
0x4c: {  	[tilespmem:s11], [sflag:$0x1] =	stream.indirect_vreg.gather [hbm4b:s3+s2], $0x80, v59, vm0, $0xb8;
	[tilespmem:$0x14200] =	vst v63  }
0x4d: {  	s13 =	simm.s32 $0xA00  }
0x4e: {  	[tilespmem:s13], [sflag:$0x1] =	stream.indirect_vreg.gather [hbm4b:s5+s2], $0x80, v59, vm0, $0xb8;
	[tilespmem:$0x14200] =	vst v63  }
0x4f: {  	s13 =	simm.s32 $0x1200  }
0x50: {  	[tilespmem:s13], [sflag:$0x1] =	stream.indirect_vreg.gather [hbm4b:s3+s2], $0x80, v23, vm0, $0xb8;
	[tilespmem:$0x14200] =	vst v63  }
0x51: {  	_ = 	snop  }
0x52: {  	[tilespmem:s14], [sflag:$0x1] =	stream.indirect_vreg.gather [hbm4b:s5+s2], $0x80, v23, vm0, $0xb8;
	[tilespmem:$0x14200] =	vst v63  }
0x53: {  	v23 =	vld [tilespmem:$0x190];
	_ =	sdelay $0x4  }
0x54: {  	v60 =	vshll.u32 v23, $0x2  }
0x55: {  	v23 =	vand.u32 $0x7, v23;
	v24 =	vand.u32 $0xFFFFFFE0, v60  }
0x56: {  	v23 =	vor.u32 v23, v24  }
0x57: {  	v24 =	vperm.xlane v23, v20;
	_ =	sdelay $0x1  }
0x58: {  	v24 =	vadd.s32 v21, v24;
	_ =	sdelay $0x1  }
0x59: {  	v23 =	vperm.xlane v23, v22;
	_ =	sdelay $0x1  }
0x5a: {  	v23 =	vadd.s32 v21, v23  }
0x5b: {  	[tilespmem:s15], [sflag:$0x1] =	stream.indirect_vreg.gather [hbm4b:s3+s2], $0x80, v24, vm0, $0xb8;
	[tilespmem:$0x14200] =	vst v63  }
0x5c: {  	_ = 	snop  }
0x5d: {  	[tilespmem:s16], [sflag:$0x1] =	stream.indirect_vreg.gather [hbm4b:s5+s2], $0x80, v24, vm0, $0xb8;
	[tilespmem:$0x14200] =	vst v63  }
0x5e: {  	_ = 	snop  }
0x5f: {  	[tilespmem:s17], [sflag:$0x1] =	stream.indirect_vreg.gather [hbm4b:s3+s2], $0x80, v23, vm0, $0xb8;
	[tilespmem:$0x14200] =	vst v63  }
0x60: {  	_ = 	snop  }
0x61: {  	[tilespmem:s18], [sflag:$0x1] =	stream.indirect_vreg.gather [hbm4b:s5+s2], $0x80, v23, vm0, $0xb8;
	[tilespmem:$0x14200] =	vst v63  }
0x62: {  	v23 =	vld [tilespmem:$0x1A0];
	_ =	sdelay $0x4  }
0x63: {  	v61 =	vshll.u32 v23, $0x2  }
0x64: {  	v23 =	vand.u32 $0x7, v23;
	v24 =	vand.u32 $0xFFFFFFE0, v61  }
0x65: {  	v23 =	vor.u32 v23, v24  }
0x66: {  	v24 =	vperm.xlane v23, v20;
	_ =	sdelay $0x1  }
0x67: {  	v24 =	vadd.s32 v21, v24;
	_ =	sdelay $0x1  }
0x68: {  	v23 =	vperm.xlane v23, v22;
	_ =	sdelay $0x1  }
0x69: {  	v23 =	vadd.s32 v21, v23  }
0x6a: {  	[tilespmem:s19], [sflag:$0x1] =	stream.indirect_vreg.gather [hbm4b:s3+s2], $0x80, v24, vm0, $0xb8;
	[tilespmem:$0x14200] =	vst v63  }
0x6b: {  	_ = 	snop  }
0x6c: {  	[tilespmem:s20], [sflag:$0x1] =	stream.indirect_vreg.gather [hbm4b:s5+s2], $0x80, v24, vm0, $0xb8;
	[tilespmem:$0x14200] =	vst v63  }
0x6d: {  	_ = 	snop  }
0x6e: {  	[tilespmem:s21], [sflag:$0x1] =	stream.indirect_vreg.gather [hbm4b:s3+s2], $0x80, v23, vm0, $0xb8;
	[tilespmem:$0x14200] =	vst v63  }
0x6f: {  	_ = 	snop  }
0x70: {  	[tilespmem:s22], [sflag:$0x1] =	stream.indirect_vreg.gather [hbm4b:s5+s2], $0x80, v23, vm0, $0xb8;
	[tilespmem:$0x14200] =	vst v63  }
0x71: {  	v23 =	vld [tilespmem:$0x1B0];
	_ =	sdelay $0x4  }
0x72: {  	v62 =	vshll.u32 v23, $0x2  }
0x73: {  	v23 =	vand.u32 $0x7, v23;
	v24 =	vand.u32 $0xFFFFFFE0, v62  }
0x74: {  	v23 =	vor.u32 v23, v24  }
0x75: {  	v24 =	vperm.xlane v23, v20;
	_ =	sdelay $0x1  }
0x76: {  	v24 =	vadd.s32 v21, v24;
	_ =	sdelay $0x1  }
0x77: {  	v23 =	vperm.xlane v23, v22;
	_ =	sdelay $0x1  }
0x78: {  	v23 =	vadd.s32 v21, v23  }
0x79: {  	[tilespmem:s23], [sflag:$0x1] =	stream.indirect_vreg.gather [hbm4b:s3+s2], $0x80, v24, vm0, $0xb8;
	[tilespmem:$0x14200] =	vst v63  }
0x7a: {  	_ = 	snop  }
0x7b: {  	[tilespmem:s24], [sflag:$0x1] =	stream.indirect_vreg.gather [hbm4b:s5+s2], $0x80, v24, vm0, $0xb8;
	[tilespmem:$0x14200] =	vst v63  }
0x7c: {  	_ = 	snop  }
0x7d: {  	[tilespmem:s25], [sflag:$0x1] =	stream.indirect_vreg.gather [hbm4b:s3+s2], $0x80, v23, vm0, $0xb8;
	[tilespmem:$0x14200] =	vst v63  }
0x7e: {  	_ = 	snop  }
0x7f: {  	[tilespmem:s26], [sflag:$0x1] =	stream.indirect_vreg.gather [hbm4b:s5+s2], $0x80, v23, vm0, $0xb8;
	[tilespmem:$0x14200] =	vst v63  }
0x80: {  	v23 =	vld [tilespmem:$0x1C0];
	_ =	sdelay $0x4  }
0x81: {  	v63 =	vshll.u32 v23, $0x2  }
0x82: {  	v23 =	vand.u32 $0x7, v23;
	v24 =	vand.u32 $0xFFFFFFE0, v63  }
0x83: {  	v23 =	vor.u32 v23, v24  }
0x84: {  	v24 =	vperm.xlane v23, v20;
	_ =	sdelay $0x1  }
0x85: {  	v24 =	vadd.s32 v21, v24;
	_ =	sdelay $0x1  }
0x86: {  	v23 =	vperm.xlane v23, v22;
	_ =	sdelay $0x1  }
0x87: {  	v23 =	vadd.s32 v21, v23  }
0x88: {  	[tilespmem:s28], [sflag:$0x1] =	stream.indirect_vreg.gather [hbm4b:s3+s2], $0x80, v24, vm0, $0xb8;
	[tilespmem:$0x14200] =	vst v63  }
0x89: {  	_ = 	snop  }
0x8a: {  	[tilespmem:s29], [sflag:$0x1] =	stream.indirect_vreg.gather [hbm4b:s5+s2], $0x80, v24, vm0, $0xb8;
	[tilespmem:$0x14200] =	vst v63  }
0x8b: {  	_ = 	snop  }
0x8c: {  	[tilespmem:s30], [sflag:$0x1] =	stream.indirect_vreg.gather [hbm4b:s3+s2], $0x80, v23, vm0, $0xb8;
	[tilespmem:$0x14200] =	vst v63  }
0x8d: {  	_ = 	snop  }
0x8e: {  	[tilespmem:s31], [sflag:$0x1] =	stream.indirect_vreg.gather [hbm4b:s5+s2], $0x80, v23, vm0, $0xb8;
	[tilespmem:$0x14200] =	vst v63  }
.Ltmp2:
0x8f: {  	_ = 	snop;
	(pc) =	sbr.rel @p0 .LBB2_3-.Ltmp2, $4  }
0x90: {  	_ =	swait.ge [sflag:s1], $0xA000  }
0x91: {  	[sflag:s1] =	ssyncset.done $0x0  }
0x92: {  	s13 =	simm.s32 $0x2;
	[sflag:s1] =	ssyncadd.s32 $0xFFFF6000  }
0x93: {  	[hbm4b:s6+s2] =	stream.linear.scatter [tilespmem:s11], [sflag:$0x2], $0xA000, $0x38;
	[tilespmem:$0x14200] =	vst v63  }
0x94: {  	[tilespmem:s2], [sflag:$0x4] =	stream.linear.gather [hbm4b:s7+s2], $0x140, $0x38;
	[tilespmem:$0x14200] =	vst v63  }
0x95: {  	_ =	swait.ge [sflag:s10], $0x140  }
0x96: {  	[sflag:s10] =	ssyncset.done $0x0  }
0x97: {  	[sflag:s10] =	ssyncadd.s32 $0xFFFFFEC0  }
0x98: {  	v23 =	vld.idx.msk [tilespmem:v0+s2+$0x0], $0xffff;
	_ =	sdelay $0x1  }
0x99: {  	v24 =	vld.idx.msk [tilespmem:v1+s2+$0x0], $0xffff;
	_ =	sdelay $0x2  }
0x9a: {  	v25 =	vld.idx.msk [tilespmem:v2+s2+$0x0], $0xffff;
	v23 =	vmul.u32 $0x3, v23;
	_ =	sdelay $0x1  }
0x9b: {  	v23 =	vadd.s32 v24, v23  }
0x9c: {  	v46 =	vld.idx.msk [tilespmem:v3+s2+$0x0], $0xffff;
	v23 =	vmul.u32 $0x3, v23;
	_ =	sdelay $0x1  }
0x9d: {  	v23 =	vadd.s32 v25, v23  }
0x9e: {  	v23 =	vmul.u32 $0x3, v23;
	_ =	sdelay $0x1  }
0x9f: {  	v23 =	vadd.s32 v46, v23  }
0xa0: {  	[tilespmem:$0x180] =	vst v23  }
0xa1: {  	v47 =	vld.idx.msk [tilespmem:v4+s2+$0x0], $0xffff;
	_ =	sdelay $0x1  }
0xa2: {  	v48 =	vld.idx.msk [tilespmem:v5+s2+$0x0], $0xffff;
	_ =	sdelay $0x2  }
0xa3: {  	v26 =	vld.idx.msk [tilespmem:v6+s2+$0x0], $0xffff;
	v24 =	vmul.u32 $0x3, v47;
	_ =	sdelay $0x1  }
0xa4: {  	v24 =	vadd.s32 v48, v24  }
0xa5: {  	v49 =	vld.idx.msk [tilespmem:v7+s2+$0x0], $0xffff;
	v24 =	vmul.u32 $0x3, v24;
	_ =	sdelay $0x1  }
0xa6: {  	v24 =	vadd.s32 v26, v24  }
0xa7: {  	v24 =	vmul.u32 $0x3, v24;
	_ =	sdelay $0x1  }
0xa8: {  	v24 =	vadd.s32 v49, v24  }
0xa9: {  	[tilespmem:$0x190] =	vst v24  }
0xaa: {  	v24 =	vld.idx.msk [tilespmem:v8+s2+$0x0], $0xffff;
	_ =	sdelay $0x1  }
0xab: {  	v50 =	vld.idx.msk [tilespmem:v9+s2+$0x0], $0xffff;
	_ =	sdelay $0x2  }
0xac: {  	v51 =	vld.idx.msk [tilespmem:v10+s2+$0x0], $0xffff;
	v24 =	vmul.u32 $0x3, v24;
	_ =	sdelay $0x1  }
0xad: {  	v24 =	vadd.s32 v50, v24  }
0xae: {  	v52 =	vld.idx.msk [tilespmem:v11+s2+$0x0], $0xffff;
	v24 =	vmul.u32 $0x3, v24;
	_ =	sdelay $0x1  }
0xaf: {  	v24 =	vadd.s32 v51, v24  }
0xb0: {  	v24 =	vmul.u32 $0x3, v24;
	_ =	sdelay $0x1  }
0xb1: {  	v24 =	vadd.s32 v52, v24  }
0xb2: {  	[tilespmem:$0x1A0] =	vst v24  }
0xb3: {  	v24 =	vld.idx.msk [tilespmem:v12+s2+$0x0], $0xffff;
	_ =	sdelay $0x1  }
0xb4: {  	v53 =	vld.idx.msk [tilespmem:v13+s2+$0x0], $0xffff;
	_ =	sdelay $0x2  }
0xb5: {  	v54 =	vld.idx.msk [tilespmem:v14+s2+$0x0], $0xffff;
	v24 =	vmul.u32 $0x3, v24;
	_ =	sdelay $0x1  }
0xb6: {  	v24 =	vadd.s32 v53, v24  }
0xb7: {  	v55 =	vld.idx.msk [tilespmem:v15+s2+$0x0], $0xffff;
	v24 =	vmul.u32 $0x3, v24;
	_ =	sdelay $0x1  }
0xb8: {  	v24 =	vadd.s32 v54, v24  }
0xb9: {  	v24 =	vmul.u32 $0x3, v24;
	_ =	sdelay $0x1  }
0xba: {  	v24 =	vadd.s32 v55, v24  }
0xbb: {  	[tilespmem:$0x1B0] =	vst v24  }
0xbc: {  	v24 =	vld.idx.msk [tilespmem:v16+s2+$0x0], $0xffff;
	_ =	sdelay $0x1  }
0xbd: {  	v56 =	vld.idx.msk [tilespmem:v17+s2+$0x0], $0xffff;
	_ =	sdelay $0x2  }
0xbe: {  	v27 =	vshll.u32 v23, $0x2;
	v57 =	vld.idx.msk [tilespmem:v18+s2+$0x0], $0xffff;
	v24 =	vmul.u32 $0x3, v24  }
0xbf: {  	v23 =	vand.u32 $0x7, v23;
	v27 =	vand.u32 $0xFFFFFFE0, v27  }
0xc0: {  	v23 =	vor.u32 v23, v27;
	v24 =	vadd.s32 v56, v24  }
0xc1: {  	v27 =	vperm.xlane v23, v20;
	v58 =	vld.idx.msk [tilespmem:v19+s2+$0x0], $0xffff;
	v24 =	vmul.u32 $0x3, v24;
	_ =	sdelay $0x1  }
0xc2: {  	v59 =	vadd.s32 v21, v27;
	v24 =	vadd.s32 v57, v24  }
0xc3: {  	v24 =	vmul.u32 $0x3, v24  }
0xc4: {  	v23 =	vperm.xlane v23, v22  }
0xc5: {  	v24 =	vadd.s32 v58, v24  }
0xc6: {  	v23 =	vadd.s32 v21, v23;
	[tilespmem:$0x1C0] =	vst v24  }
0xc7: {  	[tilespmem:s0], [sflag:$0x1] =	stream.indirect_vreg.gather [hbm4b:s3+s2], $0x80, v59, vm0, $0xb8;
	[tilespmem:$0x14200] =	vst v63  }
0xc8: {  	s13 =	simm.s32 $0xAA00  }
0xc9: {  	[tilespmem:s13], [sflag:$0x1] =	stream.indirect_vreg.gather [hbm4b:s5+s2], $0x80, v59, vm0, $0xb8;
	[tilespmem:$0x14200] =	vst v63  }
0xca: {  	s13 =	simm.s32 $0xB200  }
0xcb: {  	[tilespmem:s13], [sflag:$0x1] =	stream.indirect_vreg.gather [hbm4b:s3+s2], $0x80, v23, vm0, $0xb8;
	[tilespmem:$0x14200] =	vst v63  }
0xcc: {  	s13 =	simm.s32 $0xBA00  }
0xcd: {  	[tilespmem:s13], [sflag:$0x1] =	stream.indirect_vreg.gather [hbm4b:s5+s2], $0x80, v23, vm0, $0xb8;
	[tilespmem:$0x14200] =	vst v63  }
0xce: {  	v23 =	vld [tilespmem:$0x190];
	_ =	sdelay $0x4  }
0xcf: {  	v60 =	vshll.u32 v23, $0x2  }
0xd0: {  	v23 =	vand.u32 $0x7, v23;
	v24 =	vand.u32 $0xFFFFFFE0, v60  }
0xd1: {  	v23 =	vor.u32 v23, v24  }
0xd2: {  	v24 =	vperm.xlane v23, v20;
	_ =	sdelay $0x1  }
0xd3: {  	v24 =	vadd.s32 v21, v24;
	_ =	sdelay $0x1  }
0xd4: {  	v23 =	vperm.xlane v23, v22;
	_ =	sdelay $0x1  }
0xd5: {  	s13 =	simm.s32 $0xC200;
	v23 =	vadd.s32 v21, v23  }
0xd6: {  	[tilespmem:s13], [sflag:$0x1] =	stream.indirect_vreg.gather [hbm4b:s3+s2], $0x80, v24, vm0, $0xb8;
	[tilespmem:$0x14200] =	vst v63  }
0xd7: {  	s13 =	simm.s32 $0xCA00  }
0xd8: {  	[tilespmem:s13], [sflag:$0x1] =	stream.indirect_vreg.gather [hbm4b:s5+s2], $0x80, v24, vm0, $0xb8;
	[tilespmem:$0x14200] =	vst v63  }
0xd9: {  	s13 =	simm.s32 $0xD200  }
0xda: {  	[tilespmem:s13], [sflag:$0x1] =	stream.indirect_vreg.gather [hbm4b:s3+s2], $0x80, v23, vm0, $0xb8;
	[tilespmem:$0x14200] =	vst v63  }
0xdb: {  	s13 =	simm.s32 $0xDA00  }
0xdc: {  	[tilespmem:s13], [sflag:$0x1] =	stream.indirect_vreg.gather [hbm4b:s5+s2], $0x80, v23, vm0, $0xb8;
	[tilespmem:$0x14200] =	vst v63  }
0xdd: {  	v23 =	vld [tilespmem:$0x1A0];
	_ =	sdelay $0x4  }
0xde: {  	v61 =	vshll.u32 v23, $0x2  }
0xdf: {  	v23 =	vand.u32 $0x7, v23;
	v24 =	vand.u32 $0xFFFFFFE0, v61  }
0xe0: {  	v23 =	vor.u32 v23, v24  }
0xe1: {  	v24 =	vperm.xlane v23, v20;
	_ =	sdelay $0x1  }
0xe2: {  	v24 =	vadd.s32 v21, v24;
	_ =	sdelay $0x1  }
0xe3: {  	v23 =	vperm.xlane v23, v22;
	_ =	sdelay $0x1  }
0xe4: {  	s13 =	simm.s32 $0xE200;
	v23 =	vadd.s32 v21, v23  }
0xe5: {  	[tilespmem:s13], [sflag:$0x1] =	stream.indirect_vreg.gather [hbm4b:s3+s2], $0x80, v24, vm0, $0xb8;
	[tilespmem:$0x14200] =	vst v63  }
0xe6: {  	s13 =	simm.s32 $0xEA00  }
0xe7: {  	[tilespmem:s13], [sflag:$0x1] =	stream.indirect_vreg.gather [hbm4b:s5+s2], $0x80, v24, vm0, $0xb8;
	[tilespmem:$0x14200] =	vst v63  }
0xe8: {  	s13 =	simm.s32 $0xF200  }
0xe9: {  	[tilespmem:s13], [sflag:$0x1] =	stream.indirect_vreg.gather [hbm4b:s3+s2], $0x80, v23, vm0, $0xb8;
	[tilespmem:$0x14200] =	vst v63  }
0xea: {  	s13 =	simm.s32 $0xFA00  }
0xeb: {  	[tilespmem:s13], [sflag:$0x1] =	stream.indirect_vreg.gather [hbm4b:s5+s2], $0x80, v23, vm0, $0xb8;
	[tilespmem:$0x14200] =	vst v63  }
0xec: {  	v23 =	vld [tilespmem:$0x1B0];
	_ =	sdelay $0x4  }
0xed: {  	v62 =	vshll.u32 v23, $0x2  }
0xee: {  	v23 =	vand.u32 $0x7, v23;
	v24 =	vand.u32 $0xFFFFFFE0, v62  }
0xef: {  	v23 =	vor.u32 v23, v24  }
0xf0: {  	v24 =	vperm.xlane v23, v20;
	_ =	sdelay $0x1  }
0xf1: {  	v24 =	vadd.s32 v21, v24;
	_ =	sdelay $0x1  }
0xf2: {  	v23 =	vperm.xlane v23, v22;
	_ =	sdelay $0x1  }
0xf3: {  	s13 =	simm.s32 $0x10200;
	v23 =	vadd.s32 v21, v23  }
0xf4: {  	[tilespmem:s13], [sflag:$0x1] =	stream.indirect_vreg.gather [hbm4b:s3+s2], $0x80, v24, vm0, $0xb8;
	[tilespmem:$0x14200] =	vst v63  }
0xf5: {  	s13 =	simm.s32 $0x10A00  }
0xf6: {  	[tilespmem:s13], [sflag:$0x1] =	stream.indirect_vreg.gather [hbm4b:s5+s2], $0x80, v24, vm0, $0xb8;
	[tilespmem:$0x14200] =	vst v63  }
0xf7: {  	s13 =	simm.s32 $0x11200  }
0xf8: {  	[tilespmem:s13], [sflag:$0x1] =	stream.indirect_vreg.gather [hbm4b:s3+s2], $0x80, v23, vm0, $0xb8;
	[tilespmem:$0x14200] =	vst v63  }
0xf9: {  	s13 =	simm.s32 $0x11A00  }
0xfa: {  	[tilespmem:s13], [sflag:$0x1] =	stream.indirect_vreg.gather [hbm4b:s5+s2], $0x80, v23, vm0, $0xb8;
	[tilespmem:$0x14200] =	vst v63  }
0xfb: {  	v23 =	vld [tilespmem:$0x1C0];
	_ =	sdelay $0x4  }
0xfc: {  	v63 =	vshll.u32 v23, $0x2  }
0xfd: {  	v23 =	vand.u32 $0x7, v23;
	v24 =	vand.u32 $0xFFFFFFE0, v63  }
0xfe: {  	v23 =	vor.u32 v23, v24  }
0xff: {  	v24 =	vperm.xlane v23, v20;
	_ =	sdelay $0x1  }
0x100: {  	v24 =	vadd.s32 v21, v24;
	_ =	sdelay $0x1  }
0x101: {  	v23 =	vperm.xlane v23, v22;
	_ =	sdelay $0x1  }
0x102: {  	s13 =	simm.s32 $0x12200;
	v23 =	vadd.s32 v21, v23  }
0x103: {  	[tilespmem:s13], [sflag:$0x1] =	stream.indirect_vreg.gather [hbm4b:s3+s2], $0x80, v24, vm0, $0xb8;
	[tilespmem:$0x14200] =	vst v63  }
0x104: {  	s13 =	simm.s32 $0x12A00  }
0x105: {  	[tilespmem:s13], [sflag:$0x1] =	stream.indirect_vreg.gather [hbm4b:s5+s2], $0x80, v24, vm0, $0xb8;
	[tilespmem:$0x14200] =	vst v63  }
0x106: {  	s13 =	simm.s32 $0x13200  }
0x107: {  	[tilespmem:s13], [sflag:$0x1] =	stream.indirect_vreg.gather [hbm4b:s3+s2], $0x80, v23, vm0, $0xb8;
	[tilespmem:$0x14200] =	vst v63  }
0x108: {  	s13 =	simm.s32 $0x13A00  }
0x109: {  	[tilespmem:s13], [sflag:$0x1] =	stream.indirect_vreg.gather [hbm4b:s5+s2], $0x80, v23, vm0, $0xb8;
	[tilespmem:$0x14200] =	vst v63  }
0x10a: {  	_ =	swait.ge [sflag:s1], $0xA000  }
0x10b: {  	[sflag:s1] =	ssyncset.done $0x0  }
.Ltmp3:
0x10c: {  	[sflag:s1] =	ssyncadd.s32 $0xFFFF6000;
	(pc) =	sbr.rel .LBB2_3-.Ltmp3, $4  }
0x10d: {  	[hbm4b:s8+s2] =	stream.linear.scatter [tilespmem:s0], [sflag:$0x3], $0xA000, $0x38;
	[tilespmem:$0x14200] =	vst v63  }
0x10e: {  	_ =	swait.ge [sflag:s12], $0xA000  }
0x10f: {  	[sflag:s12] =	ssyncset.done $0x0  }
0x110: {  	s13 =	simm.s32 $0x3;
	[sflag:s12] =	ssyncadd.s32 $0xFFFF6000  }
.LBB2_4:
0x111: {  	_ =	sfence.sel $0x180000  }
0x112: {  	[bflag:$0x0] =	sbarrier.arrive $0xFFFF  }
0x113: {  	_ =	strace $0x90000047  }
0x114: {  	s0 =	stileid.u32;
	[bflag:$0x2] =	sbarrier.arrive $0xFFFF  }
0x115: {  	p0 =	sne.s32 s0, $0x0;
	s0 =	rddreg [dreg:$0x2]  }
0x116: {  	s0 =	sadd.s32 @!p0 $0x100000, s0  }
0x117: {  	[sflag:s0] =	ssyncadd.tile.s32 @!p0 $0x1;
	_ =	shalt  }
.Lfunc_end2:
_tile_overlayer_lowered:
.L_overlay_start_2:
0x118: {  	(tag) =	ssettag $0x2  }
0x119: {  	s0 =	rddreg [dreg:$0x0];
	s2 =	stileid.u32  }
0x11a: {  	s1 =	rddreg [dreg:$0x1];
	p0 =	sne.s32 s2, $0x0  }
0x11b: {  	s3 =	rddreg [dreg:$0x2];
	[bflag:$0x3] =	sbarrier.arrive $0xFFFF;
	s2 =	simm.s32 @!p0 $0x1C04  }
0x11c: {  	[timem:s3], [sflag:s2] =	dma.local @!p0 [hbm:s0], s1  }
0x11d: {  	s0 =	simm.s32 @!p0 $0x4  }
0x11e: {  	_ =	swait.ge @!p0 [sflag:s0], s1  }
0x11f: {  	s1 =	ssub.s32 @!p0 $0x0, s1;
	[sflag:s0] =	ssyncset.done @!p0 $0x0  }
0x120: {  	[sflag:s0] =	ssyncadd.s32 @!p0 s1  }
0x121: {  	[bflag:$0x3] =	sbarrier.arrive $0xFFFF  }
0x122: {  	_ =	shalt  }

</sc_bundles>
